<compile_context>
chip_gen: v7x
topology: tpu7x:2x2x1
jax: 0.10.2.dev20260603
libtpu: 0.0.44.dev20260713+nightly
codegen_flags: <defaults>
</compile_context>

<pallas_src>
import functools

import jax
import jax.numpy as jnp
from jax import lax
from jax.experimental import pallas as pl
from jax.experimental.pallas import tpu as pltpu
from jax.experimental.pallas import tpu_sc as plsc

D = 128
ED = 16
N_NODES = 10000
N_EDGES = 320000
NP = 10240
NC, NS, L = 2, 16, 16
NW = NC * NS
CHUNK = 64
CPW = 157
E_PAD = NW * CPW * CHUNK
ROWS_PER_TILE = NP // NS
DW = 128


def _gelu16(x):
    u = 1.5957691216057308 * (x + 0.044715 * (x * x * x))
    u = jnp.clip(u, -30.0, 30.0)
    e = jnp.exp(u)
    return x * (e / (e + 1.0))



def _pq_body(nodes_ref, w1a_ref, w1b_ref, t_ref):
    n = nodes_ref[...]
    t_ref[0] = jnp.dot(n, w1a_ref[...], preferred_element_type=jnp.float32)
    t_ref[1] = jnp.dot(n, w1b_ref[...], preferred_element_type=jnp.float32)


def _pq(nodes_p, w1a, w1b):
    blk = 512
    grid = NP // blk
    return pl.pallas_call(
        _pq_body,
        grid=(grid,),
        in_specs=[
            pl.BlockSpec((blk, D), lambda i: (i, 0)),
            pl.BlockSpec((D, D), lambda i: (0, 0)),
            pl.BlockSpec((D, D), lambda i: (0, 0)),
        ],
        out_specs=pl.BlockSpec((2, blk, D), lambda i: (0, i, 0)),
        out_shape=jax.ShapeDtypeStruct((2, NP, D), jnp.float32),
    )(nodes_p, w1a, w1b)



def _epre_body(ef_ref, w1c_ref, b1_ref, e_ref):
    e_ref[...] = (
        jnp.dot(ef_ref[...], w1c_ref[...], preferred_element_type=jnp.float32)
        + b1_ref[...]
    )


def _epre(ef_p, w1c, b1):
    blk = 2048
    grid = E_PAD // blk
    return pl.pallas_call(
        _epre_body,
        grid=(grid,),
        in_specs=[
            pl.BlockSpec((blk, ED), lambda i: (i, 0)),
            pl.BlockSpec((ED, D), lambda i: (0, 0)),
            pl.BlockSpec((1, D), lambda i: (0, 0)),
        ],
        out_specs=pl.BlockSpec((blk, DW), lambda i: (i, 0)),
        out_shape=jax.ShapeDtypeStruct((E_PAD, DW), jnp.float32),
    )(ef_p, w1c, b1)



_SC_MESH = plsc.VectorSubcoreMesh(
    core_axis_name="c", subcore_axis_name="s", num_cores=NC, num_subcores=NS
)


@functools.partial(
    pl.kernel,
    out_type=[
        jax.ShapeDtypeStruct((NC, NP, DW), jnp.float32),
        jax.ShapeDtypeStruct((NC, NS, NP), jnp.float32),
    ],
    mesh=_SC_MESH,
    scratch_types=[
        pltpu.VMEM((2 * CHUNK,), jnp.int32),
        pltpu.VMEM((CHUNK,), jnp.int32),
        pltpu.VMEM((2 * CHUNK, D), jnp.float32),
        pltpu.VMEM((CHUNK, DW), jnp.float32),
        pltpu.VMEM((NP,), jnp.float32),
        pltpu.VMEM_SHARED((NP, DW), jnp.float32),
        pltpu.SemaphoreType.DMA,
    ],
    compiler_params=pltpu.CompilerParams(needs_layout_passes=False),
)
def _sc_agg(t_hbm, e_hbm, idx_hbm, h_out, deg_out,
            idx_v, dsc_v, bufpq, bufe, deg_v, h_sh, semg):
    cid = lax.axis_index("c")
    sid = lax.axis_index("s")
    wid = sid * NC + cid

    zero16 = jnp.zeros((16,), jnp.float32)

    def _zero_deg(i, carry):
        deg_v[pl.ds(i * 16, 16)] = zero16
        return carry

    lax.fori_loop(0, NP // 16, _zero_deg, 0)

    def _zero_buf(i, carry):
        for j in range(DW // 16):
            bufe[i, pl.ds(j * 16, 16)] = zero16
        return carry

    lax.fori_loop(0, CHUNK, _zero_buf, 0)

    base_row = sid * ROWS_PER_TILE
    for k in range(ROWS_PER_TILE // CHUNK):
        pltpu.sync_copy(bufe, h_sh.at[pl.ds(base_row + k * CHUNK, CHUNK)])
    plsc.subcore_barrier()

    npv = jnp.full((16,), NP, jnp.int32)
    ones16 = jnp.full((16,), 1.0, jnp.float32)

    def _chunk(t, carry):
        base = (wid * CPW + t) * CHUNK
        pltpu.sync_copy(idx_hbm.at[pl.ds(2 * base, 2 * CHUNK)], idx_v)
        cg = pltpu.async_copy(t_hbm.at[idx_v], bufpq, semg)
        pltpu.sync_copy(e_hbm.at[pl.ds(base, CHUNK)], bufe)
        for k in range(CHUNK // 16):
            dsc_v[pl.ds(k * 16, 16)] = idx_v[pl.ds(CHUNK + k * 16, 16)] - npv
        cg.wait()

        def _row(i, c2):
            for j in range(D // 16):
                sl = pl.ds(j * 16, 16)
                x = bufpq[i, sl] + bufpq[CHUNK + i, sl] + bufe[i, sl]
                bufe[i, sl] = _gelu16(x)
            return c2

        lax.fori_loop(0, CHUNK, _row, 0, unroll=2)

        for k in range(CHUNK // 16):
            idx16 = dsc_v[pl.ds(k * 16, 16)]
            plsc.addupdate_scatter(deg_v, [idx16], ones16)

        pltpu.sync_copy(bufe, h_sh.at[dsc_v], add=True)
        return carry

    lax.fori_loop(0, CPW, _chunk, 0)
    plsc.subcore_barrier()

    for k in range(ROWS_PER_TILE // CHUNK):
        r = base_row + k * CHUNK
        pltpu.sync_copy(h_sh.at[pl.ds(r, CHUNK)], h_out.at[cid, pl.ds(r, CHUNK)])
    pltpu.sync_copy(deg_v, deg_out.at[cid, sid])



def _post_body(h_ref, deg_ref, nodes_ref, w2_ref, b2_ref, w3a_ref, w3b_ref,
               b3_ref, w4_ref, b4_ref, out_ref):
    h = h_ref[0] + h_ref[1]
    deg = jnp.sum(deg_ref[...], axis=(0, 1))
    agg = (
        jnp.dot(h, w2_ref[...], preferred_element_type=jnp.float32)
        + deg[:, None] * b2_ref[...]
    )
    x = (
        jnp.dot(nodes_ref[...], w3a_ref[...], preferred_element_type=jnp.float32)
        + jnp.dot(agg, w3b_ref[...], preferred_element_type=jnp.float32)
        + b3_ref[...]
    )
    out_ref[...] = (
        jnp.dot(jax.nn.gelu(x), w4_ref[...], preferred_element_type=jnp.float32)
        + b4_ref[...]
    )


def _post(hpart, deg, nodes_p, w2, b2, w3a, w3b, b3, w4, b4):
    blk = 512
    grid = NP // blk
    full = lambda i: (0, 0)
    return pl.pallas_call(
        _post_body,
        grid=(grid,),
        in_specs=[
            pl.BlockSpec((NC, blk, DW), lambda i: (0, i, 0)),
            pl.BlockSpec((NC, NS, blk), lambda i: (0, 0, i)),
            pl.BlockSpec((blk, D), lambda i: (i, 0)),
            pl.BlockSpec((D, D), full),
            pl.BlockSpec((1, D), full),
            pl.BlockSpec((D, D), full),
            pl.BlockSpec((D, D), full),
            pl.BlockSpec((1, D), full),
            pl.BlockSpec((D, D), full),
            pl.BlockSpec((1, D), full),
        ],
        out_specs=pl.BlockSpec((blk, D), lambda i: (i, 0)),
        out_shape=jax.ShapeDtypeStruct((NP, D), jnp.float32),
    )(hpart, deg, nodes_p, w2, b2, w3a, w3b, b3, w4, b4)


def kernel(node_features, edge_indices, edge_features, W1, b1, W2, b2, W3, b3, W4, b4):
    nodes = node_features[0]
    src = edge_indices[0, :, 0]
    dst = edge_indices[0, :, 1]
    ef = edge_features[0]

    pad_e = E_PAD - N_EDGES
    pad_idx = jnp.full((pad_e,), N_NODES, jnp.int32)
    src_p = jnp.concatenate([src, pad_idx])
    dst_p = jnp.concatenate([dst, pad_idx])
    idxcat = jnp.concatenate(
        [src_p.reshape(-1, CHUNK), dst_p.reshape(-1, CHUNK) + NP], axis=1
    ).reshape(-1)
    ef_p = jnp.concatenate([ef, jnp.zeros((pad_e, ED), jnp.float32)])
    nodes_p = jnp.concatenate([nodes, jnp.zeros((NP - N_NODES, D), jnp.float32)])

    W1a, W1b, W1c = W1[:D], W1[D:2 * D], W1[2 * D:]
    W3a, W3b = W3[:D], W3[D:]

    T = _pq(nodes_p, W1a, W1b).reshape(2 * NP, D)
    Epre = _epre(ef_p, W1c, b1.reshape(1, D))
    hpart, deg = _sc_agg(T, Epre, idxcat)
    out_p = _post(hpart, deg, nodes_p, W2, b2.reshape(1, D), W3a, W3b,
                  b3.reshape(1, D), W4, b4.reshape(1, D))
    return out_p[:N_NODES][None]

# --- scband reference (transcript-rebuilt; emitter-appended) ---
"""Pipeline reference for scband-message-passing-layer-66194035965974 (READ-ONLY COPY).

The authoritative reference and input builder live on the scoring server;
editing this copy changes nothing except your own understanding.
"""

import jax, jax.numpy as jnp
import numpy as np

NODE_DIM = 128
EDGE_DIM = 16
HIDDEN_DIM = 128
NUM_NODES = 10000
NUM_EDGES = 320000
BATCH = 1


def setup_inputs(seed: int = 0) -> dict:
    key = jax.random.key(seed)
    ks = jax.random.split(key, 12)
    node_features = jax.random.normal(ks[0], (BATCH, NUM_NODES, NODE_DIM), dtype=jnp.float32)
    edge_indices = jax.random.randint(ks[1], (BATCH, NUM_EDGES, 2), 0, NUM_NODES, dtype=jnp.int32)
    edge_features = jax.random.normal(ks[2], (BATCH, NUM_EDGES, EDGE_DIM), dtype=jnp.float32)
    msg_in = 2 * NODE_DIM + EDGE_DIM
    upd_in = NODE_DIM + HIDDEN_DIM
    W1 = jax.random.normal(ks[3], (msg_in, HIDDEN_DIM), dtype=jnp.float32) / np.sqrt(msg_in)
    b1 = jnp.zeros((HIDDEN_DIM,), dtype=jnp.float32)
    W2 = jax.random.normal(ks[4], (HIDDEN_DIM, HIDDEN_DIM), dtype=jnp.float32) / np.sqrt(HIDDEN_DIM)
    b2 = jnp.zeros((HIDDEN_DIM,), dtype=jnp.float32)
    W3 = jax.random.normal(ks[5], (upd_in, HIDDEN_DIM), dtype=jnp.float32) / np.sqrt(upd_in)
    b3 = jnp.zeros((HIDDEN_DIM,), dtype=jnp.float32)
    W4 = jax.random.normal(ks[6], (HIDDEN_DIM, NODE_DIM), dtype=jnp.float32) / np.sqrt(HIDDEN_DIM)
    b4 = jnp.zeros((NODE_DIM,), dtype=jnp.float32)
    return {"node_features": node_features, "edge_indices": edge_indices, "edge_features": edge_features,
            "W1": W1, "b1": b1, "W2": W2, "b2": b2, "W3": W3, "b3": b3, "W4": W4, "b4": b4}


def reference(node_features, edge_indices, edge_features, W1, b1, W2, b2, W3, b3, W4, b4):
    act = jax.nn.gelu

    def message_net(x):
        return act(x @ W1 + b1) @ W2 + b2

    def update_net(x):
        return act(x @ W3 + b3) @ W4 + b4

    num_nodes = node_features.shape[1]

    def process_batch(nodes, edges, edge_feats):
        src_nodes = nodes[edges[:, 0]]
        dst_nodes = nodes[edges[:, 1]]
        message_input = jnp.concatenate([src_nodes, dst_nodes, edge_feats], axis=-1)
        messages = message_net(message_input)
        aggregated = jnp.zeros((num_nodes, HIDDEN_DIM), dtype=messages.dtype)
        aggregated = aggregated.at[edges[:, 1]].add(messages)
        update_input = jnp.concatenate([nodes, aggregated], axis=-1)
        return update_net(update_input)

    return jax.vmap(process_batch)(node_features, edge_indices, edge_features)

if __name__ == "__main__":
    import jax
    _d = setup_inputs()
    print(jax.jit(kernel)(*tuple(_d.values())))

</pallas_src>

<mosaic_0001>
#map = affine_map<(d0, d1) -> (0, 0)>
#map1 = affine_map<(d0, d1) -> (0)>
#map2 = affine_map<(d0, d1) -> (0, 0, 0)>
module attributes {stable_mosaic.version = 14 : i64} {
  func.func @_sc_agg(%arg0: i32, %arg1: i32, %arg2: memref<20480x128xf32, #tpu.memory_space<hbm>>, %arg3: memref<321536x128xf32, #tpu.memory_space<hbm>>, %arg4: memref<643072xi32, #tpu.memory_space<hbm>>, %arg5: memref<2x10240x128xf32, #tpu.memory_space<hbm>>, %arg6: memref<2x16x10240xf32, #tpu.memory_space<hbm>>, %arg7: memref<128xi32, #tpu.memory_space<vmem>>, %arg8: memref<64xi32, #tpu.memory_space<vmem>>, %arg9: memref<128x128xf32, #tpu.memory_space<vmem>>, %arg10: memref<64x128xf32, #tpu.memory_space<vmem>>, %arg11: memref<10240xf32, #tpu.memory_space<vmem>>, %arg12: memref<10240x128xf32, #tpu.memory_space<vmem_shared>>, %arg13: memref<!tpu.dma_semaphore, #tpu.memory_space<semaphore_mem>>) attributes {dimension_semantics = [#tpu.dimension_semantics<core_parallel>, #tpu.dimension_semantics<subcore_parallel>], iteration_bounds = array<i64: 2, 16>, scalar_prefetch = 0 : i64, scratch_operands = 7 : i64, tpu.core_type = #tpu.core_type<sc_vector_subcore>, window_params = [{transform_indices = #map}, {transform_indices = #map}, {transform_indices = #map1}, {transform_indices = #map2}, {transform_indices = #map2}]} {
    %mul3A = arith.constant 2 : i32
    %mul3A_0 = arith.muli %arg1, %mul3A : i32
    %add3A = arith.addi %mul3A_0, %arg0 : i32
    %broadcast_in_dim3A = arith.constant 0.000000e+00 : f32
    %broadcast_in_dim3A_1 = vector.broadcast %broadcast_in_dim3A : f32 to vector<16xf32>
    %scan3A = arith.constant 0 : i32
    %scan3A_2 = arith.constant 0 : i32
    %scan3A_3 = arith.constant 640 : i32
    %scan3A_4 = arith.addi %scan3A_2, %scan3A_3 : i32
    %scan3A_5 = arith.constant 1 : i32
    scf.for %scan3A_66 = %scan3A_2 to %scan3A_4 step %scan3A_5  : i32 {
      %mul3A_67 = arith.constant 16 : i32
      %mul3A_68 = arith.muli %scan3A_66, %mul3A_67 : i32
      %swap3A = arith.index_cast %mul3A_68 : i32 to index
      %swap3A_69 = tpu.vector_load %arg11[%swap3A] {strides = array<i32>} : memref<10240xf32, #tpu.memory_space<vmem>>, vector<16xf32>,
      tpu.vector_store %arg11[%swap3A], %broadcast_in_dim3A_1 {strides = array<i32>} : memref<10240xf32, #tpu.memory_space<vmem>>, vector<16xf32>,
    }
    %scan3A_6 = arith.constant 640 : i32
    %scan3A_7 = arith.constant 0 : i32
    %scan3A_8 = arith.constant 0 : i32
    %scan3A_9 = arith.constant 64 : i32
    %scan3A_10 = arith.addi %scan3A_8, %scan3A_9 : i32
    %scan3A_11 = arith.constant 1 : i32
    scf.for %scan3A_66 = %scan3A_8 to %scan3A_10 step %scan3A_11  : i32 {
      %swap3A = arith.index_cast %scan3A_66 : i32 to index
      %swap3A_67 = arith.constant 0 : index
      %swap3A_68 = tpu.vector_load %arg10[%swap3A, %swap3A_67] {strides = array<i32>} : memref<64x128xf32, #tpu.memory_space<vmem>>, vector<16xf32>,
      tpu.vector_store %arg10[%swap3A, %swap3A_67], %broadcast_in_dim3A_1 {strides = array<i32>} : memref<64x128xf32, #tpu.memory_space<vmem>>, vector<16xf32>,
      %swap3A_69 = arith.index_cast %scan3A_66 : i32 to index
      %swap3A_70 = arith.constant 16 : index
      %swap3A_71 = tpu.vector_load %arg10[%swap3A_69, %swap3A_70] {strides = array<i32>} : memref<64x128xf32, #tpu.memory_space<vmem>>, vector<16xf32>,
      tpu.vector_store %arg10[%swap3A_69, %swap3A_70], %broadcast_in_dim3A_1 {strides = array<i32>} : memref<64x128xf32, #tpu.memory_space<vmem>>, vector<16xf32>,
      %swap3A_72 = arith.index_cast %scan3A_66 : i32 to index
      %swap3A_73 = arith.constant 32 : index
      %swap3A_74 = tpu.vector_load %arg10[%swap3A_72, %swap3A_73] {strides = array<i32>} : memref<64x128xf32, #tpu.memory_space<vmem>>, vector<16xf32>,
      tpu.vector_store %arg10[%swap3A_72, %swap3A_73], %broadcast_in_dim3A_1 {strides = array<i32>} : memref<64x128xf32, #tpu.memory_space<vmem>>, vector<16xf32>,
      %swap3A_75 = arith.index_cast %scan3A_66 : i32 to index
      %swap3A_76 = arith.constant 48 : index
      %swap3A_77 = tpu.vector_load %arg10[%swap3A_75, %swap3A_76] {strides = array<i32>} : memref<64x128xf32, #tpu.memory_space<vmem>>, vector<16xf32>,
      tpu.vector_store %arg10[%swap3A_75, %swap3A_76], %broadcast_in_dim3A_1 {strides = array<i32>} : memref<64x128xf32, #tpu.memory_space<vmem>>, vector<16xf32>,
      %swap3A_78 = arith.index_cast %scan3A_66 : i32 to index
      %swap3A_79 = arith.constant 64 : index
      %swap3A_80 = tpu.vector_load %arg10[%swap3A_78, %swap3A_79] {strides = array<i32>} : memref<64x128xf32, #tpu.memory_space<vmem>>, vector<16xf32>,
      tpu.vector_store %arg10[%swap3A_78, %swap3A_79], %broadcast_in_dim3A_1 {strides = array<i32>} : memref<64x128xf32, #tpu.memory_space<vmem>>, vector<16xf32>,
      %swap3A_81 = arith.index_cast %scan3A_66 : i32 to index
      %swap3A_82 = arith.constant 80 : index
      %swap3A_83 = tpu.vector_load %arg10[%swap3A_81, %swap3A_82] {strides = array<i32>} : memref<64x128xf32, #tpu.memory_space<vmem>>, vector<16xf32>,
      tpu.vector_store %arg10[%swap3A_81, %swap3A_82], %broadcast_in_dim3A_1 {strides = array<i32>} : memref<64x128xf32, #tpu.memory_space<vmem>>, vector<16xf32>,
      %swap3A_84 = arith.index_cast %scan3A_66 : i32 to index
      %swap3A_85 = arith.constant 96 : index
      %swap3A_86 = tpu.vector_load %arg10[%swap3A_84, %swap3A_85] {strides = array<i32>} : memref<64x128xf32, #tpu.memory_space<vmem>>, vector<16xf32>,
      tpu.vector_store %arg10[%swap3A_84, %swap3A_85], %broadcast_in_dim3A_1 {strides = array<i32>} : memref<64x128xf32, #tpu.memory_space<vmem>>, vector<16xf32>,
      %swap3A_87 = arith.index_cast %scan3A_66 : i32 to index
      %swap3A_88 = arith.constant 112 : index
      %swap3A_89 = tpu.vector_load %arg10[%swap3A_87, %swap3A_88] {strides = array<i32>} : memref<64x128xf32, #tpu.memory_space<vmem>>, vector<16xf32>,
      tpu.vector_store %arg10[%swap3A_87, %swap3A_88], %broadcast_in_dim3A_1 {strides = array<i32>} : memref<64x128xf32, #tpu.memory_space<vmem>>, vector<16xf32>,
    }
    %scan3A_12 = arith.constant 64 : i32
    %mul3A_13 = arith.constant 640 : i32
    %mul3A_14 = arith.muli %arg1, %mul3A_13 : i32
    %add3A_15 = arith.constant 0 : i32
    %add3A_16 = arith.addi %mul3A_14, %add3A_15 : i32
    "tpu.region"() ({
      %run_scoped3A = tpu.sem_alloc : memref<!tpu.dma_semaphore, #tpu.memory_space<semaphore_mem>>
      %dma_start3A = arith.constant 0 : i32
      %dma_start3A_66 = tpu.memref_slice %arg12[%add3A_16, %dma_start3A] : memref<10240x128xf32, #tpu.memory_space<vmem_shared>> -> memref<64x128xf32, #tpu.memory_space<vmem_shared>>
      %dma_start3A_67 = arith.constant 0 : i32
      %dma_start3A_68 = tpu.memref_slice %arg12[%add3A_16, %dma_start3A_67] : memref<10240x128xf32, #tpu.memory_space<vmem_shared>> -> memref<64x128xf32, #tpu.memory_space<vmem_shared>>
      tpu.enqueue_dma source(%arg10 : memref<64x128xf32, #tpu.memory_space<vmem>>) target(%dma_start3A_68 : memref<64x128xf32, #tpu.memory_space<vmem_shared>>) target_semaphore(%run_scoped3A : memref<!tpu.dma_semaphore, #tpu.memory_space<semaphore_mem>>)
      %dma_wait3A = arith.constant 0 : i32
      %dma_wait3A_69 = tpu.memref_slice %arg12[%add3A_16, %dma_wait3A] : memref<10240x128xf32, #tpu.memory_space<vmem_shared>> -> memref<64x128xf32, #tpu.memory_space<vmem_shared>>
      %dma_wait3A_70 = arith.constant 0 : i32
      %dma_wait3A_71 = tpu.memref_slice %arg12[%add3A_16, %dma_wait3A_70] : memref<10240x128xf32, #tpu.memory_space<vmem_shared>> -> memref<64x128xf32, #tpu.memory_space<vmem_shared>>
      tpu.wait_dma2 semaphore(%run_scoped3A : memref<!tpu.dma_semaphore, #tpu.memory_space<semaphore_mem>>) src(%arg10 : memref<64x128xf32, #tpu.memory_space<vmem>>) dst(%dma_wait3A_71 : memref<64x128xf32, #tpu.memory_space<vmem_shared>>)
      tpu.yield
    }) : () -> ()
    %add3A_17 = arith.constant 64 : i32
    %add3A_18 = arith.addi %mul3A_14, %add3A_17 : i32
    "tpu.region"() ({
      %run_scoped3A = tpu.sem_alloc : memref<!tpu.dma_semaphore, #tpu.memory_space<semaphore_mem>>
      %dma_start3A = arith.constant 0 : i32
      %dma_start3A_66 = tpu.memref_slice %arg12[%add3A_18, %dma_start3A] : memref<10240x128xf32, #tpu.memory_space<vmem_shared>> -> memref<64x128xf32, #tpu.memory_space<vmem_shared>>
      %dma_start3A_67 = arith.constant 0 : i32
      %dma_start3A_68 = tpu.memref_slice %arg12[%add3A_18, %dma_start3A_67] : memref<10240x128xf32, #tpu.memory_space<vmem_shared>> -> memref<64x128xf32, #tpu.memory_space<vmem_shared>>
      tpu.enqueue_dma source(%arg10 : memref<64x128xf32, #tpu.memory_space<vmem>>) target(%dma_start3A_68 : memref<64x128xf32, #tpu.memory_space<vmem_shared>>) target_semaphore(%run_scoped3A : memref<!tpu.dma_semaphore, #tpu.memory_space<semaphore_mem>>)
      %dma_wait3A = arith.constant 0 : i32
      %dma_wait3A_69 = tpu.memref_slice %arg12[%add3A_18, %dma_wait3A] : memref<10240x128xf32, #tpu.memory_space<vmem_shared>> -> memref<64x128xf32, #tpu.memory_space<vmem_shared>>
      %dma_wait3A_70 = arith.constant 0 : i32
      %dma_wait3A_71 = tpu.memref_slice %arg12[%add3A_18, %dma_wait3A_70] : memref<10240x128xf32, #tpu.memory_space<vmem_shared>> -> memref<64x128xf32, #tpu.memory_space<vmem_shared>>
      tpu.wait_dma2 semaphore(%run_scoped3A : memref<!tpu.dma_semaphore, #tpu.memory_space<semaphore_mem>>) src(%arg10 : memref<64x128xf32, #tpu.memory_space<vmem>>) dst(%dma_wait3A_71 : memref<64x128xf32, #tpu.memory_space<vmem_shared>>)
      tpu.yield
    }) : () -> ()
    %add3A_19 = arith.constant 128 : i32
    %add3A_20 = arith.addi %mul3A_14, %add3A_19 : i32
    "tpu.region"() ({
      %run_scoped3A = tpu.sem_alloc : memref<!tpu.dma_semaphore, #tpu.memory_space<semaphore_mem>>
      %dma_start3A = arith.constant 0 : i32
      %dma_start3A_66 = tpu.memref_slice %arg12[%add3A_20, %dma_start3A] : memref<10240x128xf32, #tpu.memory_space<vmem_shared>> -> memref<64x128xf32, #tpu.memory_space<vmem_shared>>
      %dma_start3A_67 = arith.constant 0 : i32
      %dma_start3A_68 = tpu.memref_slice %arg12[%add3A_20, %dma_start3A_67] : memref<10240x128xf32, #tpu.memory_space<vmem_shared>> -> memref<64x128xf32, #tpu.memory_space<vmem_shared>>
      tpu.enqueue_dma source(%arg10 : memref<64x128xf32, #tpu.memory_space<vmem>>) target(%dma_start3A_68 : memref<64x128xf32, #tpu.memory_space<vmem_shared>>) target_semaphore(%run_scoped3A : memref<!tpu.dma_semaphore, #tpu.memory_space<semaphore_mem>>)
      %dma_wait3A = arith.constant 0 : i32
      %dma_wait3A_69 = tpu.memref_slice %arg12[%add3A_20, %dma_wait3A] : memref<10240x128xf32, #tpu.memory_space<vmem_shared>> -> memref<64x128xf32, #tpu.memory_space<vmem_shared>>
      %dma_wait3A_70 = arith.constant 0 : i32
      %dma_wait3A_71 = tpu.memref_slice %arg12[%add3A_20, %dma_wait3A_70] : memref<10240x128xf32, #tpu.memory_space<vmem_shared>> -> memref<64x128xf32, #tpu.memory_space<vmem_shared>>
      tpu.wait_dma2 semaphore(%run_scoped3A : memref<!tpu.dma_semaphore, #tpu.memory_space<semaphore_mem>>) src(%arg10 : memref<64x128xf32, #tpu.memory_space<vmem>>) dst(%dma_wait3A_71 : memref<64x128xf32, #tpu.memory_space<vmem_shared>>)
      tpu.yield
    }) : () -> ()
    %add3A_21 = arith.constant 192 : i32
    %add3A_22 = arith.addi %mul3A_14, %add3A_21 : i32
    "tpu.region"() ({
      %run_scoped3A = tpu.sem_alloc : memref<!tpu.dma_semaphore, #tpu.memory_space<semaphore_mem>>
      %dma_start3A = arith.constant 0 : i32
      %dma_start3A_66 = tpu.memref_slice %arg12[%add3A_22, %dma_start3A] : memref<10240x128xf32, #tpu.memory_space<vmem_shared>> -> memref<64x128xf32, #tpu.memory_space<vmem_shared>>
      %dma_start3A_67 = arith.constant 0 : i32
      %dma_start3A_68 = tpu.memref_slice %arg12[%add3A_22, %dma_start3A_67] : memref<10240x128xf32, #tpu.memory_space<vmem_shared>> -> memref<64x128xf32, #tpu.memory_space<vmem_shared>>
      tpu.enqueue_dma source(%arg10 : memref<64x128xf32, #tpu.memory_space<vmem>>) target(%dma_start3A_68 : memref<64x128xf32, #tpu.memory_space<vmem_shared>>) target_semaphore(%run_scoped3A : memref<!tpu.dma_semaphore, #tpu.memory_space<semaphore_mem>>)
      %dma_wait3A = arith.constant 0 : i32
      %dma_wait3A_69 = tpu.memref_slice %arg12[%add3A_22, %dma_wait3A] : memref<10240x128xf32, #tpu.memory_space<vmem_shared>> -> memref<64x128xf32, #tpu.memory_space<vmem_shared>>
      %dma_wait3A_70 = arith.constant 0 : i32
      %dma_wait3A_71 = tpu.memref_slice %arg12[%add3A_22, %dma_wait3A_70] : memref<10240x128xf32, #tpu.memory_space<vmem_shared>> -> memref<64x128xf32, #tpu.memory_space<vmem_shared>>
      tpu.wait_dma2 semaphore(%run_scoped3A : memref<!tpu.dma_semaphore, #tpu.memory_space<semaphore_mem>>) src(%arg10 : memref<64x128xf32, #tpu.memory_space<vmem>>) dst(%dma_wait3A_71 : memref<64x128xf32, #tpu.memory_space<vmem_shared>>)
      tpu.yield
    }) : () -> ()
    %add3A_23 = arith.constant 256 : i32
    %add3A_24 = arith.addi %mul3A_14, %add3A_23 : i32
    "tpu.region"() ({
      %run_scoped3A = tpu.sem_alloc : memref<!tpu.dma_semaphore, #tpu.memory_space<semaphore_mem>>
      %dma_start3A = arith.constant 0 : i32
      %dma_start3A_66 = tpu.memref_slice %arg12[%add3A_24, %dma_start3A] : memref<10240x128xf32, #tpu.memory_space<vmem_shared>> -> memref<64x128xf32, #tpu.memory_space<vmem_shared>>
      %dma_start3A_67 = arith.constant 0 : i32
      %dma_start3A_68 = tpu.memref_slice %arg12[%add3A_24, %dma_start3A_67] : memref<10240x128xf32, #tpu.memory_space<vmem_shared>> -> memref<64x128xf32, #tpu.memory_space<vmem_shared>>
      tpu.enqueue_dma source(%arg10 : memref<64x128xf32, #tpu.memory_space<vmem>>) target(%dma_start3A_68 : memref<64x128xf32, #tpu.memory_space<vmem_shared>>) target_semaphore(%run_scoped3A : memref<!tpu.dma_semaphore, #tpu.memory_space<semaphore_mem>>)
      %dma_wait3A = arith.constant 0 : i32
      %dma_wait3A_69 = tpu.memref_slice %arg12[%add3A_24, %dma_wait3A] : memref<10240x128xf32, #tpu.memory_space<vmem_shared>> -> memref<64x128xf32, #tpu.memory_space<vmem_shared>>
      %dma_wait3A_70 = arith.constant 0 : i32
      %dma_wait3A_71 = tpu.memref_slice %arg12[%add3A_24, %dma_wait3A_70] : memref<10240x128xf32, #tpu.memory_space<vmem_shared>> -> memref<64x128xf32, #tpu.memory_space<vmem_shared>>
      tpu.wait_dma2 semaphore(%run_scoped3A : memref<!tpu.dma_semaphore, #tpu.memory_space<semaphore_mem>>) src(%arg10 : memref<64x128xf32, #tpu.memory_space<vmem>>) dst(%dma_wait3A_71 : memref<64x128xf32, #tpu.memory_space<vmem_shared>>)
      tpu.yield
    }) : () -> ()
    %add3A_25 = arith.constant 320 : i32
    %add3A_26 = arith.addi %mul3A_14, %add3A_25 : i32
    "tpu.region"() ({
      %run_scoped3A = tpu.sem_alloc : memref<!tpu.dma_semaphore, #tpu.memory_space<semaphore_mem>>
      %dma_start3A = arith.constant 0 : i32
      %dma_start3A_66 = tpu.memref_slice %arg12[%add3A_26, %dma_start3A] : memref<10240x128xf32, #tpu.memory_space<vmem_shared>> -> memref<64x128xf32, #tpu.memory_space<vmem_shared>>
      %dma_start3A_67 = arith.constant 0 : i32
      %dma_start3A_68 = tpu.memref_slice %arg12[%add3A_26, %dma_start3A_67] : memref<10240x128xf32, #tpu.memory_space<vmem_shared>> -> memref<64x128xf32, #tpu.memory_space<vmem_shared>>
      tpu.enqueue_dma source(%arg10 : memref<64x128xf32, #tpu.memory_space<vmem>>) target(%dma_start3A_68 : memref<64x128xf32, #tpu.memory_space<vmem_shared>>) target_semaphore(%run_scoped3A : memref<!tpu.dma_semaphore, #tpu.memory_space<semaphore_mem>>)
      %dma_wait3A = arith.constant 0 : i32
      %dma_wait3A_69 = tpu.memref_slice %arg12[%add3A_26, %dma_wait3A] : memref<10240x128xf32, #tpu.memory_space<vmem_shared>> -> memref<64x128xf32, #tpu.memory_space<vmem_shared>>
      %dma_wait3A_70 = arith.constant 0 : i32
      %dma_wait3A_71 = tpu.memref_slice %arg12[%add3A_26, %dma_wait3A_70] : memref<10240x128xf32, #tpu.memory_space<vmem_shared>> -> memref<64x128xf32, #tpu.memory_space<vmem_shared>>
      tpu.wait_dma2 semaphore(%run_scoped3A : memref<!tpu.dma_semaphore, #tpu.memory_space<semaphore_mem>>) src(%arg10 : memref<64x128xf32, #tpu.memory_space<vmem>>) dst(%dma_wait3A_71 : memref<64x128xf32, #tpu.memory_space<vmem_shared>>)
      tpu.yield
    }) : () -> ()
    %add3A_27 = arith.constant 384 : i32
    %add3A_28 = arith.addi %mul3A_14, %add3A_27 : i32
    "tpu.region"() ({
      %run_scoped3A = tpu.sem_alloc : memref<!tpu.dma_semaphore, #tpu.memory_space<semaphore_mem>>
      %dma_start3A = arith.constant 0 : i32
      %dma_start3A_66 = tpu.memref_slice %arg12[%add3A_28, %dma_start3A] : memref<10240x128xf32, #tpu.memory_space<vmem_shared>> -> memref<64x128xf32, #tpu.memory_space<vmem_shared>>
      %dma_start3A_67 = arith.constant 0 : i32
      %dma_start3A_68 = tpu.memref_slice %arg12[%add3A_28, %dma_start3A_67] : memref<10240x128xf32, #tpu.memory_space<vmem_shared>> -> memref<64x128xf32, #tpu.memory_space<vmem_shared>>
      tpu.enqueue_dma source(%arg10 : memref<64x128xf32, #tpu.memory_space<vmem>>) target(%dma_start3A_68 : memref<64x128xf32, #tpu.memory_space<vmem_shared>>) target_semaphore(%run_scoped3A : memref<!tpu.dma_semaphore, #tpu.memory_space<semaphore_mem>>)
      %dma_wait3A = arith.constant 0 : i32
      %dma_wait3A_69 = tpu.memref_slice %arg12[%add3A_28, %dma_wait3A] : memref<10240x128xf32, #tpu.memory_space<vmem_shared>> -> memref<64x128xf32, #tpu.memory_space<vmem_shared>>
      %dma_wait3A_70 = arith.constant 0 : i32
      %dma_wait3A_71 = tpu.memref_slice %arg12[%add3A_28, %dma_wait3A_70] : memref<10240x128xf32, #tpu.memory_space<vmem_shared>> -> memref<64x128xf32, #tpu.memory_space<vmem_shared>>
      tpu.wait_dma2 semaphore(%run_scoped3A : memref<!tpu.dma_semaphore, #tpu.memory_space<semaphore_mem>>) src(%arg10 : memref<64x128xf32, #tpu.memory_space<vmem>>) dst(%dma_wait3A_71 : memref<64x128xf32, #tpu.memory_space<vmem_shared>>)
      tpu.yield
    }) : () -> ()
    %add3A_29 = arith.constant 448 : i32
    %add3A_30 = arith.addi %mul3A_14, %add3A_29 : i32
    "tpu.region"() ({
      %run_scoped3A = tpu.sem_alloc : memref<!tpu.dma_semaphore, #tpu.memory_space<semaphore_mem>>
      %dma_start3A = arith.constant 0 : i32
      %dma_start3A_66 = tpu.memref_slice %arg12[%add3A_30, %dma_start3A] : memref<10240x128xf32, #tpu.memory_space<vmem_shared>> -> memref<64x128xf32, #tpu.memory_space<vmem_shared>>
      %dma_start3A_67 = arith.constant 0 : i32
      %dma_start3A_68 = tpu.memref_slice %arg12[%add3A_30, %dma_start3A_67] : memref<10240x128xf32, #tpu.memory_space<vmem_shared>> -> memref<64x128xf32, #tpu.memory_space<vmem_shared>>
      tpu.enqueue_dma source(%arg10 : memref<64x128xf32, #tpu.memory_space<vmem>>) target(%dma_start3A_68 : memref<64x128xf32, #tpu.memory_space<vmem_shared>>) target_semaphore(%run_scoped3A : memref<!tpu.dma_semaphore, #tpu.memory_space<semaphore_mem>>)
      %dma_wait3A = arith.constant 0 : i32
      %dma_wait3A_69 = tpu.memref_slice %arg12[%add3A_30, %dma_wait3A] : memref<10240x128xf32, #tpu.memory_space<vmem_shared>> -> memref<64x128xf32, #tpu.memory_space<vmem_shared>>
      %dma_wait3A_70 = arith.constant 0 : i32
      %dma_wait3A_71 = tpu.memref_slice %arg12[%add3A_30, %dma_wait3A_70] : memref<10240x128xf32, #tpu.memory_space<vmem_shared>> -> memref<64x128xf32, #tpu.memory_space<vmem_shared>>
      tpu.wait_dma2 semaphore(%run_scoped3A : memref<!tpu.dma_semaphore, #tpu.memory_space<semaphore_mem>>) src(%arg10 : memref<64x128xf32, #tpu.memory_space<vmem>>) dst(%dma_wait3A_71 : memref<64x128xf32, #tpu.memory_space<vmem_shared>>)
      tpu.yield
    }) : () -> ()
    %add3A_31 = arith.constant 512 : i32
    %add3A_32 = arith.addi %mul3A_14, %add3A_31 : i32
    "tpu.region"() ({
      %run_scoped3A = tpu.sem_alloc : memref<!tpu.dma_semaphore, #tpu.memory_space<semaphore_mem>>
      %dma_start3A = arith.constant 0 : i32
      %dma_start3A_66 = tpu.memref_slice %arg12[%add3A_32, %dma_start3A] : memref<10240x128xf32, #tpu.memory_space<vmem_shared>> -> memref<64x128xf32, #tpu.memory_space<vmem_shared>>
      %dma_start3A_67 = arith.constant 0 : i32
      %dma_start3A_68 = tpu.memref_slice %arg12[%add3A_32, %dma_start3A_67] : memref<10240x128xf32, #tpu.memory_space<vmem_shared>> -> memref<64x128xf32, #tpu.memory_space<vmem_shared>>
      tpu.enqueue_dma source(%arg10 : memref<64x128xf32, #tpu.memory_space<vmem>>) target(%dma_start3A_68 : memref<64x128xf32, #tpu.memory_space<vmem_shared>>) target_semaphore(%run_scoped3A : memref<!tpu.dma_semaphore, #tpu.memory_space<semaphore_mem>>)
      %dma_wait3A = arith.constant 0 : i32
      %dma_wait3A_69 = tpu.memref_slice %arg12[%add3A_32, %dma_wait3A] : memref<10240x128xf32, #tpu.memory_space<vmem_shared>> -> memref<64x128xf32, #tpu.memory_space<vmem_shared>>
      %dma_wait3A_70 = arith.constant 0 : i32
      %dma_wait3A_71 = tpu.memref_slice %arg12[%add3A_32, %dma_wait3A_70] : memref<10240x128xf32, #tpu.memory_space<vmem_shared>> -> memref<64x128xf32, #tpu.memory_space<vmem_shared>>
      tpu.wait_dma2 semaphore(%run_scoped3A : memref<!tpu.dma_semaphore, #tpu.memory_space<semaphore_mem>>) src(%arg10 : memref<64x128xf32, #tpu.memory_space<vmem>>) dst(%dma_wait3A_71 : memref<64x128xf32, #tpu.memory_space<vmem_shared>>)
      tpu.yield
    }) : () -> ()
    %add3A_33 = arith.constant 576 : i32
    %add3A_34 = arith.addi %mul3A_14, %add3A_33 : i32
    "tpu.region"() ({
      %run_scoped3A = tpu.sem_alloc : memref<!tpu.dma_semaphore, #tpu.memory_space<semaphore_mem>>
      %dma_start3A = arith.constant 0 : i32
      %dma_start3A_66 = tpu.memref_slice %arg12[%add3A_34, %dma_start3A] : memref<10240x128xf32, #tpu.memory_space<vmem_shared>> -> memref<64x128xf32, #tpu.memory_space<vmem_shared>>
      %dma_start3A_67 = arith.constant 0 : i32
      %dma_start3A_68 = tpu.memref_slice %arg12[%add3A_34, %dma_start3A_67] : memref<10240x128xf32, #tpu.memory_space<vmem_shared>> -> memref<64x128xf32, #tpu.memory_space<vmem_shared>>
      tpu.enqueue_dma source(%arg10 : memref<64x128xf32, #tpu.memory_space<vmem>>) target(%dma_start3A_68 : memref<64x128xf32, #tpu.memory_space<vmem_shared>>) target_semaphore(%run_scoped3A : memref<!tpu.dma_semaphore, #tpu.memory_space<semaphore_mem>>)
      %dma_wait3A = arith.constant 0 : i32
      %dma_wait3A_69 = tpu.memref_slice %arg12[%add3A_34, %dma_wait3A] : memref<10240x128xf32, #tpu.memory_space<vmem_shared>> -> memref<64x128xf32, #tpu.memory_space<vmem_shared>>
      %dma_wait3A_70 = arith.constant 0 : i32
      %dma_wait3A_71 = tpu.memref_slice %arg12[%add3A_34, %dma_wait3A_70] : memref<10240x128xf32, #tpu.memory_space<vmem_shared>> -> memref<64x128xf32, #tpu.memory_space<vmem_shared>>
      tpu.wait_dma2 semaphore(%run_scoped3A : memref<!tpu.dma_semaphore, #tpu.memory_space<semaphore_mem>>) src(%arg10 : memref<64x128xf32, #tpu.memory_space<vmem>>) dst(%dma_wait3A_71 : memref<64x128xf32, #tpu.memory_space<vmem_shared>>)
      tpu.yield
    }) : () -> ()
    %barrier3A = arith.constant 0 : index
    tpu.barrier barrier_id(%barrier3A)
    %broadcast_in_dim3A_35 = arith.constant 10240 : i32
    %broadcast_in_dim3A_36 = vector.broadcast %broadcast_in_dim3A_35 : i32 to vector<16xi32>
    %broadcast_in_dim3A_37 = arith.constant 1.000000e+00 : f32
    %broadcast_in_dim3A_38 = vector.broadcast %broadcast_in_dim3A_37 : f32 to vector<16xf32>
    %scan3A_39 = arith.constant 0 : i32
    %scan3A_40 = arith.constant 0 : i32
    %scan3A_41 = arith.constant 157 : i32
    %scan3A_42 = arith.addi %scan3A_40, %scan3A_41 : i32
    %scan3A_43 = arith.constant 1 : i32
    scf.for %scan3A_66 = %scan3A_40 to %scan3A_42 step %scan3A_43  : i32 {
      %mul3A_67 = arith.constant 157 : i32
      %mul3A_68 = arith.muli %add3A, %mul3A_67 : i32
      %add3A_69 = arith.addi %mul3A_68, %scan3A_66 : i32
      %mul3A_70 = arith.constant 64 : i32
      %mul3A_71 = arith.muli %add3A_69, %mul3A_70 : i32
      %mul3A_72 = arith.constant 2 : i32
      %mul3A_73 = arith.muli %mul3A_72, %mul3A_71 : i32
      "tpu.region"() ({
        %run_scoped3A = tpu.sem_alloc : memref<!tpu.dma_semaphore, #tpu.memory_space<semaphore_mem>>
        %dma_start3A_109 = tpu.memref_slice %arg4[%mul3A_73] : memref<643072xi32, #tpu.memory_space<hbm>> -> memref<128xi32, #tpu.memory_space<hbm>>
        %dma_start3A_110 = tpu.memref_slice %arg4[%mul3A_73] : memref<643072xi32, #tpu.memory_space<hbm>> -> memref<128xi32, #tpu.memory_space<hbm>>
        tpu.enqueue_dma source(%dma_start3A_110 : memref<128xi32, #tpu.memory_space<hbm>>) target(%arg7 : memref<128xi32, #tpu.memory_space<vmem>>) target_semaphore(%run_scoped3A : memref<!tpu.dma_semaphore, #tpu.memory_space<semaphore_mem>>)
        %dma_wait3A_111 = tpu.memref_slice %arg4[%mul3A_73] : memref<643072xi32, #tpu.memory_space<hbm>> -> memref<128xi32, #tpu.memory_space<hbm>>
        %dma_wait3A_112 = tpu.memref_slice %arg4[%mul3A_73] : memref<643072xi32, #tpu.memory_space<hbm>> -> memref<128xi32, #tpu.memory_space<hbm>>
        tpu.wait_dma2 semaphore(%run_scoped3A : memref<!tpu.dma_semaphore, #tpu.memory_space<semaphore_mem>>) src(%dma_wait3A_112 : memref<128xi32, #tpu.memory_space<hbm>>) dst(%arg7 : memref<128xi32, #tpu.memory_space<vmem>>)
        tpu.yield
      }) : () -> ()
      %dma_start3A = arith.constant 0 : i32
      %dma_start3A_74 = arith.constant 0 : i32
      %dma_start3A_75 = tpu.memref_slice %arg2[%dma_start3A, %dma_start3A_74] : memref<20480x128xf32, #tpu.memory_space<hbm>> -> memref<20480x128xf32, #tpu.memory_space<hbm>>
      tpu.enqueue_indirect_dma source(%dma_start3A_75 : memref<20480x128xf32, #tpu.memory_space<hbm>>) target(%arg9 : memref<128x128xf32, #tpu.memory_space<vmem>>) offsets(%arg7 : memref<128xi32, #tpu.memory_space<vmem>>) semaphore(%arg13 : memref<!tpu.dma_semaphore, #tpu.memory_space<semaphore_mem>>)
      "tpu.region"() ({
        %run_scoped3A = tpu.sem_alloc : memref<!tpu.dma_semaphore, #tpu.memory_space<semaphore_mem>>
        %dma_start3A_109 = arith.constant 0 : i32
        %dma_start3A_110 = tpu.memref_slice %arg3[%mul3A_71, %dma_start3A_109] : memref<321536x128xf32, #tpu.memory_space<hbm>> -> memref<64x128xf32, #tpu.memory_space<hbm>>
        %dma_start3A_111 = arith.constant 0 : i32
        %dma_start3A_112 = tpu.memref_slice %arg3[%mul3A_71, %dma_start3A_111] : memref<321536x128xf32, #tpu.memory_space<hbm>> -> memref<64x128xf32, #tpu.memory_space<hbm>>
        tpu.enqueue_dma source(%dma_start3A_112 : memref<64x128xf32, #tpu.memory_space<hbm>>) target(%arg10 : memref<64x128xf32, #tpu.memory_space<vmem>>) target_semaphore(%run_scoped3A : memref<!tpu.dma_semaphore, #tpu.memory_space<semaphore_mem>>)
        %dma_wait3A_113 = arith.constant 0 : i32
        %dma_wait3A_114 = tpu.memref_slice %arg3[%mul3A_71, %dma_wait3A_113] : memref<321536x128xf32, #tpu.memory_space<hbm>> -> memref<64x128xf32, #tpu.memory_space<hbm>>
        %dma_wait3A_115 = arith.constant 0 : i32
        %dma_wait3A_116 = tpu.memref_slice %arg3[%mul3A_71, %dma_wait3A_115] : memref<321536x128xf32, #tpu.memory_space<hbm>> -> memref<64x128xf32, #tpu.memory_space<hbm>>
        tpu.wait_dma2 semaphore(%run_scoped3A : memref<!tpu.dma_semaphore, #tpu.memory_space<semaphore_mem>>) src(%dma_wait3A_116 : memref<64x128xf32, #tpu.memory_space<hbm>>) dst(%arg10 : memref<64x128xf32, #tpu.memory_space<vmem>>)
        tpu.yield
      }) : () -> ()
      %get3A = arith.constant 64 : index
      %get3A_76 = tpu.vector_load %arg7[%get3A] {strides = array<i32>} : memref<128xi32, #tpu.memory_space<vmem>>, vector<16xi32>,
      %sub3A = arith.subi %get3A_76, %broadcast_in_dim3A_36 : vector<16xi32>
      %swap3A = arith.constant 0 : index
      %swap3A_77 = tpu.vector_load %arg8[%swap3A] {strides = array<i32>} : memref<64xi32, #tpu.memory_space<vmem>>, vector<16xi32>,
      tpu.vector_store %arg8[%swap3A], %sub3A {strides = array<i32>} : memref<64xi32, #tpu.memory_space<vmem>>, vector<16xi32>,
      %get3A_78 = arith.constant 80 : index
      %get3A_79 = tpu.vector_load %arg7[%get3A_78] {strides = array<i32>} : memref<128xi32, #tpu.memory_space<vmem>>, vector<16xi32>,
      %sub3A_80 = arith.subi %get3A_79, %broadcast_in_dim3A_36 : vector<16xi32>
      %swap3A_81 = arith.constant 16 : index
      %swap3A_82 = tpu.vector_load %arg8[%swap3A_81] {strides = array<i32>} : memref<64xi32, #tpu.memory_space<vmem>>, vector<16xi32>,
      tpu.vector_store %arg8[%swap3A_81], %sub3A_80 {strides = array<i32>} : memref<64xi32, #tpu.memory_space<vmem>>, vector<16xi32>,
      %get3A_83 = arith.constant 96 : index
      %get3A_84 = tpu.vector_load %arg7[%get3A_83] {strides = array<i32>} : memref<128xi32, #tpu.memory_space<vmem>>, vector<16xi32>,
      %sub3A_85 = arith.subi %get3A_84, %broadcast_in_dim3A_36 : vector<16xi32>
      %swap3A_86 = arith.constant 32 : index
      %swap3A_87 = tpu.vector_load %arg8[%swap3A_86] {strides = array<i32>} : memref<64xi32, #tpu.memory_space<vmem>>, vector<16xi32>,
      tpu.vector_store %arg8[%swap3A_86], %sub3A_85 {strides = array<i32>} : memref<64xi32, #tpu.memory_space<vmem>>, vector<16xi32>,
      %get3A_88 = arith.constant 112 : index
      %get3A_89 = tpu.vector_load %arg7[%get3A_88] {strides = array<i32>} : memref<128xi32, #tpu.memory_space<vmem>>, vector<16xi32>,
      %sub3A_90 = arith.subi %get3A_89, %broadcast_in_dim3A_36 : vector<16xi32>
      %swap3A_91 = arith.constant 48 : index
      %swap3A_92 = tpu.vector_load %arg8[%swap3A_91] {strides = array<i32>} : memref<64xi32, #tpu.memory_space<vmem>>, vector<16xi32>,
      tpu.vector_store %arg8[%swap3A_91], %sub3A_90 {strides = array<i32>} : memref<64xi32, #tpu.memory_space<vmem>>, vector<16xi32>,
      %dma_wait3A = arith.constant 0 : i32
      %dma_wait3A_93 = arith.constant 0 : i32
      %dma_wait3A_94 = tpu.memref_slice %arg2[%dma_wait3A, %dma_wait3A_93] : memref<20480x128xf32, #tpu.memory_space<hbm>> -> memref<20480x128xf32, #tpu.memory_space<hbm>>
      tpu.wait_indirect_dma semaphore(%arg13 : memref<!tpu.dma_semaphore, #tpu.memory_space<semaphore_mem>>) src(%dma_wait3A_94 : memref<20480x128xf32, #tpu.memory_space<hbm>>) dst(%arg9 : memref<128x128xf32, #tpu.memory_space<vmem>>)
      %scan3A_95 = arith.constant 0 : i32
      %scan3A_96 = arith.constant 0 : i32
      %scan3A_97 = arith.constant 64 : i32
      %scan3A_98 = arith.addi %scan3A_96, %scan3A_97 : i32
      %scan3A_99 = arith.constant 2 : i32
      scf.for %scan3A_109 = %scan3A_96 to %scan3A_98 step %scan3A_99  : i32 {
        %get3A_110 = arith.index_cast %scan3A_109 : i32 to index
        %get3A_111 = arith.constant 0 : index
        %get3A_112 = tpu.vector_load %arg9[%get3A_110, %get3A_111] {strides = array<i32>} : memref<128x128xf32, #tpu.memory_space<vmem>>, vector<16xf32>,
        %add3A_113 = arith.constant 64 : i32
        %add3A_114 = arith.addi %add3A_113, %scan3A_109 : i32
        %get3A_115 = arith.index_cast %add3A_114 : i32 to index
        %get3A_116 = arith.constant 0 : index
        %get3A_117 = tpu.vector_load %arg9[%get3A_115, %get3A_116] {strides = array<i32>} : memref<128x128xf32, #tpu.memory_space<vmem>>, vector<16xf32>,
        %add3A_118 = arith.addf %get3A_112, %get3A_117 : vector<16xf32>
        %get3A_119 = arith.index_cast %scan3A_109 : i32 to index
        %get3A_120 = arith.constant 0 : index
        %get3A_121 = tpu.vector_load %arg10[%get3A_119, %get3A_120] {strides = array<i32>} : memref<64x128xf32, #tpu.memory_space<vmem>>, vector<16xf32>,
        %add3A_122 = arith.addf %add3A_118, %get3A_121 : vector<16xf32>
        %mul3A_123 = arith.mulf %add3A_122, %add3A_122 : vector<16xf32>
        %mul3A_124 = arith.mulf %mul3A_123, %add3A_122 : vector<16xf32>
        %mul3A_125 = arith.constant 4.471500e-02 : f32
        %mul3A_126 = vector.broadcast %mul3A_125 : f32 to vector<16xf32>
        %mul3A_127 = arith.mulf %mul3A_126, %mul3A_124 : vector<16xf32>
        %add3A_128 = arith.addf %add3A_122, %mul3A_127 : vector<16xf32>
        %mul3A_129 = arith.constant 1.59576917 : f32
        %mul3A_130 = vector.broadcast %mul3A_129 : f32 to vector<16xf32>
        %mul3A_131 = arith.mulf %mul3A_130, %add3A_128 : vector<16xf32>
        %jit3A = arith.constant -3.000000e+01 : f32
        %jit3A_132 = arith.constant 3.000000e+01 : f32
        %max3A = vector.broadcast %jit3A : f32 to vector<16xf32>
        %max3A_133 = arith.maximumf %max3A, %mul3A_131 : vector<16xf32>
        %min3A = vector.broadcast %jit3A_132 : f32 to vector<16xf32>
        %min3A_134 = arith.minimumf %min3A, %max3A_133 : vector<16xf32>
        %exp3A = math.exp %min3A_134 : vector<16xf32>
        %add3A_135 = arith.constant 1.000000e+00 : f32
        %add3A_136 = vector.broadcast %add3A_135 : f32 to vector<16xf32>
        %add3A_137 = arith.addf %exp3A, %add3A_136 : vector<16xf32>
        %div3A = arith.divf %exp3A, %add3A_137 : vector<16xf32>
        %mul3A_138 = arith.mulf %add3A_122, %div3A : vector<16xf32>
        %swap3A_139 = arith.index_cast %scan3A_109 : i32 to index
        %swap3A_140 = arith.constant 0 : index
        %swap3A_141 = tpu.vector_load %arg10[%swap3A_139, %swap3A_140] {strides = array<i32>} : memref<64x128xf32, #tpu.memory_space<vmem>>, vector<16xf32>,
        tpu.vector_store %arg10[%swap3A_139, %swap3A_140], %mul3A_138 {strides = array<i32>} : memref<64x128xf32, #tpu.memory_space<vmem>>, vector<16xf32>,
        %get3A_142 = arith.index_cast %scan3A_109 : i32 to index
        %get3A_143 = arith.constant 16 : index
        %get3A_144 = tpu.vector_load %arg9[%get3A_142, %get3A_143] {strides = array<i32>} : memref<128x128xf32, #tpu.memory_space<vmem>>, vector<16xf32>,
        %add3A_145 = arith.constant 64 : i32
        %add3A_146 = arith.addi %add3A_145, %scan3A_109 : i32
        %get3A_147 = arith.index_cast %add3A_146 : i32 to index
        %get3A_148 = arith.constant 16 : index
        %get3A_149 = tpu.vector_load %arg9[%get3A_147, %get3A_148] {strides = array<i32>} : memref<128x128xf32, #tpu.memory_space<vmem>>, vector<16xf32>,
        %add3A_150 = arith.addf %get3A_144, %get3A_149 : vector<16xf32>
        %get3A_151 = arith.index_cast %scan3A_109 : i32 to index
        %get3A_152 = arith.constant 16 : index
        %get3A_153 = tpu.vector_load %arg10[%get3A_151, %get3A_152] {strides = array<i32>} : memref<64x128xf32, #tpu.memory_space<vmem>>, vector<16xf32>,
        %add3A_154 = arith.addf %add3A_150, %get3A_153 : vector<16xf32>
        %mul3A_155 = arith.mulf %add3A_154, %add3A_154 : vector<16xf32>
        %mul3A_156 = arith.mulf %mul3A_155, %add3A_154 : vector<16xf32>
        %mul3A_157 = arith.constant 4.471500e-02 : f32
        %mul3A_158 = vector.broadcast %mul3A_157 : f32 to vector<16xf32>
        %mul3A_159 = arith.mulf %mul3A_158, %mul3A_156 : vector<16xf32>
        %add3A_160 = arith.addf %add3A_154, %mul3A_159 : vector<16xf32>
        %mul3A_161 = arith.constant 1.59576917 : f32
        %mul3A_162 = vector.broadcast %mul3A_161 : f32 to vector<16xf32>
        %mul3A_163 = arith.mulf %mul3A_162, %add3A_160 : vector<16xf32>
        %jit3A_164 = arith.constant -3.000000e+01 : f32
        %jit3A_165 = arith.constant 3.000000e+01 : f32
        %max3A_166 = vector.broadcast %jit3A_164 : f32 to vector<16xf32>
        %max3A_167 = arith.maximumf %max3A_166, %mul3A_163 : vector<16xf32>
        %min3A_168 = vector.broadcast %jit3A_165 : f32 to vector<16xf32>
        %min3A_169 = arith.minimumf %min3A_168, %max3A_167 : vector<16xf32>
        %exp3A_170 = math.exp %min3A_169 : vector<16xf32>
        %add3A_171 = arith.constant 1.000000e+00 : f32
        %add3A_172 = vector.broadcast %add3A_171 : f32 to vector<16xf32>
        %add3A_173 = arith.addf %exp3A_170, %add3A_172 : vector<16xf32>
        %div3A_174 = arith.divf %exp3A_170, %add3A_173 : vector<16xf32>
        %mul3A_175 = arith.mulf %add3A_154, %div3A_174 : vector<16xf32>
        %swap3A_176 = arith.index_cast %scan3A_109 : i32 to index
        %swap3A_177 = arith.constant 16 : index
        %swap3A_178 = tpu.vector_load %arg10[%swap3A_176, %swap3A_177] {strides = array<i32>} : memref<64x128xf32, #tpu.memory_space<vmem>>, vector<16xf32>,
        tpu.vector_store %arg10[%swap3A_176, %swap3A_177], %mul3A_175 {strides = array<i32>} : memref<64x128xf32, #tpu.memory_space<vmem>>, vector<16xf32>,
        %get3A_179 = arith.index_cast %scan3A_109 : i32 to index
        %get3A_180 = arith.constant 32 : index
        %get3A_181 = tpu.vector_load %arg9[%get3A_179, %get3A_180] {strides = array<i32>} : memref<128x128xf32, #tpu.memory_space<vmem>>, vector<16xf32>,
        %add3A_182 = arith.constant 64 : i32
        %add3A_183 = arith.addi %add3A_182, %scan3A_109 : i32
        %get3A_184 = arith.index_cast %add3A_183 : i32 to index
        %get3A_185 = arith.constant 32 : index
        %get3A_186 = tpu.vector_load %arg9[%get3A_184, %get3A_185] {strides = array<i32>} : memref<128x128xf32, #tpu.memory_space<vmem>>, vector<16xf32>,
        %add3A_187 = arith.addf %get3A_181, %get3A_186 : vector<16xf32>
        %get3A_188 = arith.index_cast %scan3A_109 : i32 to index
        %get3A_189 = arith.constant 32 : index
        %get3A_190 = tpu.vector_load %arg10[%get3A_188, %get3A_189] {strides = array<i32>} : memref<64x128xf32, #tpu.memory_space<vmem>>, vector<16xf32>,
        %add3A_191 = arith.addf %add3A_187, %get3A_190 : vector<16xf32>
        %mul3A_192 = arith.mulf %add3A_191, %add3A_191 : vector<16xf32>
        %mul3A_193 = arith.mulf %mul3A_192, %add3A_191 : vector<16xf32>
        %mul3A_194 = arith.constant 4.471500e-02 : f32
        %mul3A_195 = vector.broadcast %mul3A_194 : f32 to vector<16xf32>
        %mul3A_196 = arith.mulf %mul3A_195, %mul3A_193 : vector<16xf32>
        %add3A_197 = arith.addf %add3A_191, %mul3A_196 : vector<16xf32>
        %mul3A_198 = arith.constant 1.59576917 : f32
        %mul3A_199 = vector.broadcast %mul3A_198 : f32 to vector<16xf32>
        %mul3A_200 = arith.mulf %mul3A_199, %add3A_197 : vector<16xf32>
        %jit3A_201 = arith.constant -3.000000e+01 : f32
        %jit3A_202 = arith.constant 3.000000e+01 : f32
        %max3A_203 = vector.broadcast %jit3A_201 : f32 to vector<16xf32>
        %max3A_204 = arith.maximumf %max3A_203, %mul3A_200 : vector<16xf32>
        %min3A_205 = vector.broadcast %jit3A_202 : f32 to vector<16xf32>
        %min3A_206 = arith.minimumf %min3A_205, %max3A_204 : vector<16xf32>
        %exp3A_207 = math.exp %min3A_206 : vector<16xf32>
        %add3A_208 = arith.constant 1.000000e+00 : f32
        %add3A_209 = vector.broadcast %add3A_208 : f32 to vector<16xf32>
        %add3A_210 = arith.addf %exp3A_207, %add3A_209 : vector<16xf32>
        %div3A_211 = arith.divf %exp3A_207, %add3A_210 : vector<16xf32>
        %mul3A_212 = arith.mulf %add3A_191, %div3A_211 : vector<16xf32>
        %swap3A_213 = arith.index_cast %scan3A_109 : i32 to index
        %swap3A_214 = arith.constant 32 : index
        %swap3A_215 = tpu.vector_load %arg10[%swap3A_213, %swap3A_214] {strides = array<i32>} : memref<64x128xf32, #tpu.memory_space<vmem>>, vector<16xf32>,
        tpu.vector_store %arg10[%swap3A_213, %swap3A_214], %mul3A_212 {strides = array<i32>} : memref<64x128xf32, #tpu.memory_space<vmem>>, vector<16xf32>,
        %get3A_216 = arith.index_cast %scan3A_109 : i32 to index
        %get3A_217 = arith.constant 48 : index
        %get3A_218 = tpu.vector_load %arg9[%get3A_216, %get3A_217] {strides = array<i32>} : memref<128x128xf32, #tpu.memory_space<vmem>>, vector<16xf32>,
        %add3A_219 = arith.constant 64 : i32
        %add3A_220 = arith.addi %add3A_219, %scan3A_109 : i32
        %get3A_221 = arith.index_cast %add3A_220 : i32 to index
        %get3A_222 = arith.constant 48 : index
        %get3A_223 = tpu.vector_load %arg9[%get3A_221, %get3A_222] {strides = array<i32>} : memref<128x128xf32, #tpu.memory_space<vmem>>, vector<16xf32>,
        %add3A_224 = arith.addf %get3A_218, %get3A_223 : vector<16xf32>
        %get3A_225 = arith.index_cast %scan3A_109 : i32 to index
        %get3A_226 = arith.constant 48 : index
        %get3A_227 = tpu.vector_load %arg10[%get3A_225, %get3A_226] {strides = array<i32>} : memref<64x128xf32, #tpu.memory_space<vmem>>, vector<16xf32>,
        %add3A_228 = arith.addf %add3A_224, %get3A_227 : vector<16xf32>
        %mul3A_229 = arith.mulf %add3A_228, %add3A_228 : vector<16xf32>
        %mul3A_230 = arith.mulf %mul3A_229, %add3A_228 : vector<16xf32>
        %mul3A_231 = arith.constant 4.471500e-02 : f32
        %mul3A_232 = vector.broadcast %mul3A_231 : f32 to vector<16xf32>
        %mul3A_233 = arith.mulf %mul3A_232, %mul3A_230 : vector<16xf32>
        %add3A_234 = arith.addf %add3A_228, %mul3A_233 : vector<16xf32>
        %mul3A_235 = arith.constant 1.59576917 : f32
        %mul3A_236 = vector.broadcast %mul3A_235 : f32 to vector<16xf32>
        %mul3A_237 = arith.mulf %mul3A_236, %add3A_234 : vector<16xf32>
        %jit3A_238 = arith.constant -3.000000e+01 : f32
        %jit3A_239 = arith.constant 3.000000e+01 : f32
        %max3A_240 = vector.broadcast %jit3A_238 : f32 to vector<16xf32>
        %max3A_241 = arith.maximumf %max3A_240, %mul3A_237 : vector<16xf32>
        %min3A_242 = vector.broadcast %jit3A_239 : f32 to vector<16xf32>
        %min3A_243 = arith.minimumf %min3A_242, %max3A_241 : vector<16xf32>
        %exp3A_244 = math.exp %min3A_243 : vector<16xf32>
        %add3A_245 = arith.constant 1.000000e+00 : f32
        %add3A_246 = vector.broadcast %add3A_245 : f32 to vector<16xf32>
        %add3A_247 = arith.addf %exp3A_244, %add3A_246 : vector<16xf32>
        %div3A_248 = arith.divf %exp3A_244, %add3A_247 : vector<16xf32>
        %mul3A_249 = arith.mulf %add3A_228, %div3A_248 : vector<16xf32>
        %swap3A_250 = arith.index_cast %scan3A_109 : i32 to index
        %swap3A_251 = arith.constant 48 : index
        %swap3A_252 = tpu.vector_load %arg10[%swap3A_250, %swap3A_251] {strides = array<i32>} : memref<64x128xf32, #tpu.memory_space<vmem>>, vector<16xf32>,
        tpu.vector_store %arg10[%swap3A_250, %swap3A_251], %mul3A_249 {strides = array<i32>} : memref<64x128xf32, #tpu.memory_space<vmem>>, vector<16xf32>,
        %get3A_253 = arith.index_cast %scan3A_109 : i32 to index
        %get3A_254 = arith.constant 64 : index
        %get3A_255 = tpu.vector_load %arg9[%get3A_253, %get3A_254] {strides = array<i32>} : memref<128x128xf32, #tpu.memory_space<vmem>>, vector<16xf32>,
        %add3A_256 = arith.constant 64 : i32
        %add3A_257 = arith.addi %add3A_256, %scan3A_109 : i32
        %get3A_258 = arith.index_cast %add3A_257 : i32 to index
        %get3A_259 = arith.constant 64 : index
        %get3A_260 = tpu.vector_load %arg9[%get3A_258, %get3A_259] {strides = array<i32>} : memref<128x128xf32, #tpu.memory_space<vmem>>, vector<16xf32>,
        %add3A_261 = arith.addf %get3A_255, %get3A_260 : vector<16xf32>
        %get3A_262 = arith.index_cast %scan3A_109 : i32 to index
        %get3A_263 = arith.constant 64 : index
        %get3A_264 = tpu.vector_load %arg10[%get3A_262, %get3A_263] {strides = array<i32>} : memref<64x128xf32, #tpu.memory_space<vmem>>, vector<16xf32>,
        %add3A_265 = arith.addf %add3A_261, %get3A_264 : vector<16xf32>
        %mul3A_266 = arith.mulf %add3A_265, %add3A_265 : vector<16xf32>
        %mul3A_267 = arith.mulf %mul3A_266, %add3A_265 : vector<16xf32>
        %mul3A_268 = arith.constant 4.471500e-02 : f32
        %mul3A_269 = vector.broadcast %mul3A_268 : f32 to vector<16xf32>
        %mul3A_270 = arith.mulf %mul3A_269, %mul3A_267 : vector<16xf32>
        %add3A_271 = arith.addf %add3A_265, %mul3A_270 : vector<16xf32>
        %mul3A_272 = arith.constant 1.59576917 : f32
        %mul3A_273 = vector.broadcast %mul3A_272 : f32 to vector<16xf32>
        %mul3A_274 = arith.mulf %mul3A_273, %add3A_271 : vector<16xf32>
        %jit3A_275 = arith.constant -3.000000e+01 : f32
        %jit3A_276 = arith.constant 3.000000e+01 : f32
        %max3A_277 = vector.broadcast %jit3A_275 : f32 to vector<16xf32>
        %max3A_278 = arith.maximumf %max3A_277, %mul3A_274 : vector<16xf32>
        %min3A_279 = vector.broadcast %jit3A_276 : f32 to vector<16xf32>
        %min3A_280 = arith.minimumf %min3A_279, %max3A_278 : vector<16xf32>
        %exp3A_281 = math.exp %min3A_280 : vector<16xf32>
        %add3A_282 = arith.constant 1.000000e+00 : f32
        %add3A_283 = vector.broadcast %add3A_282 : f32 to vector<16xf32>
        %add3A_284 = arith.addf %exp3A_281, %add3A_283 : vector<16xf32>
        %div3A_285 = arith.divf %exp3A_281, %add3A_284 : vector<16xf32>
        %mul3A_286 = arith.mulf %add3A_265, %div3A_285 : vector<16xf32>
        %swap3A_287 = arith.index_cast %scan3A_109 : i32 to index
        %swap3A_288 = arith.constant 64 : index
        %swap3A_289 = tpu.vector_load %arg10[%swap3A_287, %swap3A_288] {strides = array<i32>} : memref<64x128xf32, #tpu.memory_space<vmem>>, vector<16xf32>,
        tpu.vector_store %arg10[%swap3A_287, %swap3A_288], %mul3A_286 {strides = array<i32>} : memref<64x128xf32, #tpu.memory_space<vmem>>, vector<16xf32>,
        %get3A_290 = arith.index_cast %scan3A_109 : i32 to index
        %get3A_291 = arith.constant 80 : index
        %get3A_292 = tpu.vector_load %arg9[%get3A_290, %get3A_291] {strides = array<i32>} : memref<128x128xf32, #tpu.memory_space<vmem>>, vector<16xf32>,
        %add3A_293 = arith.constant 64 : i32
        %add3A_294 = arith.addi %add3A_293, %scan3A_109 : i32
        %get3A_295 = arith.index_cast %add3A_294 : i32 to index
        %get3A_296 = arith.constant 80 : index
        %get3A_297 = tpu.vector_load %arg9[%get3A_295, %get3A_296] {strides = array<i32>} : memref<128x128xf32, #tpu.memory_space<vmem>>, vector<16xf32>,
        %add3A_298 = arith.addf %get3A_292, %get3A_297 : vector<16xf32>
        %get3A_299 = arith.index_cast %scan3A_109 : i32 to index
        %get3A_300 = arith.constant 80 : index
        %get3A_301 = tpu.vector_load %arg10[%get3A_299, %get3A_300] {strides = array<i32>} : memref<64x128xf32, #tpu.memory_space<vmem>>, vector<16xf32>,
        %add3A_302 = arith.addf %add3A_298, %get3A_301 : vector<16xf32>
        %mul3A_303 = arith.mulf %add3A_302, %add3A_302 : vector<16xf32>
        %mul3A_304 = arith.mulf %mul3A_303, %add3A_302 : vector<16xf32>
        %mul3A_305 = arith.constant 4.471500e-02 : f32
        %mul3A_306 = vector.broadcast %mul3A_305 : f32 to vector<16xf32>
        %mul3A_307 = arith.mulf %mul3A_306, %mul3A_304 : vector<16xf32>
        %add3A_308 = arith.addf %add3A_302, %mul3A_307 : vector<16xf32>
        %mul3A_309 = arith.constant 1.59576917 : f32
        %mul3A_310 = vector.broadcast %mul3A_309 : f32 to vector<16xf32>
        %mul3A_311 = arith.mulf %mul3A_310, %add3A_308 : vector<16xf32>
        %jit3A_312 = arith.constant -3.000000e+01 : f32
        %jit3A_313 = arith.constant 3.000000e+01 : f32
        %max3A_314 = vector.broadcast %jit3A_312 : f32 to vector<16xf32>
        %max3A_315 = arith.maximumf %max3A_314, %mul3A_311 : vector<16xf32>
        %min3A_316 = vector.broadcast %jit3A_313 : f32 to vector<16xf32>
        %min3A_317 = arith.minimumf %min3A_316, %max3A_315 : vector<16xf32>
        %exp3A_318 = math.exp %min3A_317 : vector<16xf32>
        %add3A_319 = arith.constant 1.000000e+00 : f32
        %add3A_320 = vector.broadcast %add3A_319 : f32 to vector<16xf32>
        %add3A_321 = arith.addf %exp3A_318, %add3A_320 : vector<16xf32>
        %div3A_322 = arith.divf %exp3A_318, %add3A_321 : vector<16xf32>
        %mul3A_323 = arith.mulf %add3A_302, %div3A_322 : vector<16xf32>
        %swap3A_324 = arith.index_cast %scan3A_109 : i32 to index
        %swap3A_325 = arith.constant 80 : index
        %swap3A_326 = tpu.vector_load %arg10[%swap3A_324, %swap3A_325] {strides = array<i32>} : memref<64x128xf32, #tpu.memory_space<vmem>>, vector<16xf32>,
        tpu.vector_store %arg10[%swap3A_324, %swap3A_325], %mul3A_323 {strides = array<i32>} : memref<64x128xf32, #tpu.memory_space<vmem>>, vector<16xf32>,
        %get3A_327 = arith.index_cast %scan3A_109 : i32 to index
        %get3A_328 = arith.constant 96 : index
        %get3A_329 = tpu.vector_load %arg9[%get3A_327, %get3A_328] {strides = array<i32>} : memref<128x128xf32, #tpu.memory_space<vmem>>, vector<16xf32>,
        %add3A_330 = arith.constant 64 : i32
        %add3A_331 = arith.addi %add3A_330, %scan3A_109 : i32
        %get3A_332 = arith.index_cast %add3A_331 : i32 to index
        %get3A_333 = arith.constant 96 : index
        %get3A_334 = tpu.vector_load %arg9[%get3A_332, %get3A_333] {strides = array<i32>} : memref<128x128xf32, #tpu.memory_space<vmem>>, vector<16xf32>,
        %add3A_335 = arith.addf %get3A_329, %get3A_334 : vector<16xf32>
        %get3A_336 = arith.index_cast %scan3A_109 : i32 to index
        %get3A_337 = arith.constant 96 : index
        %get3A_338 = tpu.vector_load %arg10[%get3A_336, %get3A_337] {strides = array<i32>} : memref<64x128xf32, #tpu.memory_space<vmem>>, vector<16xf32>,
        %add3A_339 = arith.addf %add3A_335, %get3A_338 : vector<16xf32>
        %mul3A_340 = arith.mulf %add3A_339, %add3A_339 : vector<16xf32>
        %mul3A_341 = arith.mulf %mul3A_340, %add3A_339 : vector<16xf32>
        %mul3A_342 = arith.constant 4.471500e-02 : f32
        %mul3A_343 = vector.broadcast %mul3A_342 : f32 to vector<16xf32>
        %mul3A_344 = arith.mulf %mul3A_343, %mul3A_341 : vector<16xf32>
        %add3A_345 = arith.addf %add3A_339, %mul3A_344 : vector<16xf32>
        %mul3A_346 = arith.constant 1.59576917 : f32
        %mul3A_347 = vector.broadcast %mul3A_346 : f32 to vector<16xf32>
        %mul3A_348 = arith.mulf %mul3A_347, %add3A_345 : vector<16xf32>
        %jit3A_349 = arith.constant -3.000000e+01 : f32
        %jit3A_350 = arith.constant 3.000000e+01 : f32
        %max3A_351 = vector.broadcast %jit3A_349 : f32 to vector<16xf32>
        %max3A_352 = arith.maximumf %max3A_351, %mul3A_348 : vector<16xf32>
        %min3A_353 = vector.broadcast %jit3A_350 : f32 to vector<16xf32>
        %min3A_354 = arith.minimumf %min3A_353, %max3A_352 : vector<16xf32>
        %exp3A_355 = math.exp %min3A_354 : vector<16xf32>
        %add3A_356 = arith.constant 1.000000e+00 : f32
        %add3A_357 = vector.broadcast %add3A_356 : f32 to vector<16xf32>
        %add3A_358 = arith.addf %exp3A_355, %add3A_357 : vector<16xf32>
        %div3A_359 = arith.divf %exp3A_355, %add3A_358 : vector<16xf32>
        %mul3A_360 = arith.mulf %add3A_339, %div3A_359 : vector<16xf32>
        %swap3A_361 = arith.index_cast %scan3A_109 : i32 to index
        %swap3A_362 = arith.constant 96 : index
        %swap3A_363 = tpu.vector_load %arg10[%swap3A_361, %swap3A_362] {strides = array<i32>} : memref<64x128xf32, #tpu.memory_space<vmem>>, vector<16xf32>,
        tpu.vector_store %arg10[%swap3A_361, %swap3A_362], %mul3A_360 {strides = array<i32>} : memref<64x128xf32, #tpu.memory_space<vmem>>, vector<16xf32>,
        %get3A_364 = arith.index_cast %scan3A_109 : i32 to index
        %get3A_365 = arith.constant 112 : index
        %get3A_366 = tpu.vector_load %arg9[%get3A_364, %get3A_365] {strides = array<i32>} : memref<128x128xf32, #tpu.memory_space<vmem>>, vector<16xf32>,
        %add3A_367 = arith.constant 64 : i32
        %add3A_368 = arith.addi %add3A_367, %scan3A_109 : i32
        %get3A_369 = arith.index_cast %add3A_368 : i32 to index
        %get3A_370 = arith.constant 112 : index
        %get3A_371 = tpu.vector_load %arg9[%get3A_369, %get3A_370] {strides = array<i32>} : memref<128x128xf32, #tpu.memory_space<vmem>>, vector<16xf32>,
        %add3A_372 = arith.addf %get3A_366, %get3A_371 : vector<16xf32>
        %get3A_373 = arith.index_cast %scan3A_109 : i32 to index
        %get3A_374 = arith.constant 112 : index
        %get3A_375 = tpu.vector_load %arg10[%get3A_373, %get3A_374] {strides = array<i32>} : memref<64x128xf32, #tpu.memory_space<vmem>>, vector<16xf32>,
        %add3A_376 = arith.addf %add3A_372, %get3A_375 : vector<16xf32>
        %mul3A_377 = arith.mulf %add3A_376, %add3A_376 : vector<16xf32>
        %mul3A_378 = arith.mulf %mul3A_377, %add3A_376 : vector<16xf32>
        %mul3A_379 = arith.constant 4.471500e-02 : f32
        %mul3A_380 = vector.broadcast %mul3A_379 : f32 to vector<16xf32>
        %mul3A_381 = arith.mulf %mul3A_380, %mul3A_378 : vector<16xf32>
        %add3A_382 = arith.addf %add3A_376, %mul3A_381 : vector<16xf32>
        %mul3A_383 = arith.constant 1.59576917 : f32
        %mul3A_384 = vector.broadcast %mul3A_383 : f32 to vector<16xf32>
        %mul3A_385 = arith.mulf %mul3A_384, %add3A_382 : vector<16xf32>
        %jit3A_386 = arith.constant -3.000000e+01 : f32
        %jit3A_387 = arith.constant 3.000000e+01 : f32
        %max3A_388 = vector.broadcast %jit3A_386 : f32 to vector<16xf32>
        %max3A_389 = arith.maximumf %max3A_388, %mul3A_385 : vector<16xf32>
        %min3A_390 = vector.broadcast %jit3A_387 : f32 to vector<16xf32>
        %min3A_391 = arith.minimumf %min3A_390, %max3A_389 : vector<16xf32>
        %exp3A_392 = math.exp %min3A_391 : vector<16xf32>
        %add3A_393 = arith.constant 1.000000e+00 : f32
        %add3A_394 = vector.broadcast %add3A_393 : f32 to vector<16xf32>
        %add3A_395 = arith.addf %exp3A_392, %add3A_394 : vector<16xf32>
        %div3A_396 = arith.divf %exp3A_392, %add3A_395 : vector<16xf32>
        %mul3A_397 = arith.mulf %add3A_376, %div3A_396 : vector<16xf32>
        %swap3A_398 = arith.index_cast %scan3A_109 : i32 to index
        %swap3A_399 = arith.constant 112 : index
        %swap3A_400 = tpu.vector_load %arg10[%swap3A_398, %swap3A_399] {strides = array<i32>} : memref<64x128xf32, #tpu.memory_space<vmem>>, vector<16xf32>,
        tpu.vector_store %arg10[%swap3A_398, %swap3A_399], %mul3A_397 {strides = array<i32>} : memref<64x128xf32, #tpu.memory_space<vmem>>, vector<16xf32>,
        %scan3A_401 = arith.constant 1 : i32
        %scan3A_402 = arith.addi %scan3A_109, %scan3A_401 : i32
        %get3A_403 = arith.index_cast %scan3A_402 : i32 to index
        %get3A_404 = arith.constant 0 : index
        %get3A_405 = tpu.vector_load %arg9[%get3A_403, %get3A_404] {strides = array<i32>} : memref<128x128xf32, #tpu.memory_space<vmem>>, vector<16xf32>,
        %add3A_406 = arith.constant 64 : i32
        %add3A_407 = arith.addi %add3A_406, %scan3A_402 : i32
        %get3A_408 = arith.index_cast %add3A_407 : i32 to index
        %get3A_409 = arith.constant 0 : index
        %get3A_410 = tpu.vector_load %arg9[%get3A_408, %get3A_409] {strides = array<i32>} : memref<128x128xf32, #tpu.memory_space<vmem>>, vector<16xf32>,
        %add3A_411 = arith.addf %get3A_405, %get3A_410 : vector<16xf32>
        %get3A_412 = arith.index_cast %scan3A_402 : i32 to index
        %get3A_413 = arith.constant 0 : index
        %get3A_414 = tpu.vector_load %arg10[%get3A_412, %get3A_413] {strides = array<i32>} : memref<64x128xf32, #tpu.memory_space<vmem>>, vector<16xf32>,
        %add3A_415 = arith.addf %add3A_411, %get3A_414 : vector<16xf32>
        %mul3A_416 = arith.mulf %add3A_415, %add3A_415 : vector<16xf32>
        %mul3A_417 = arith.mulf %mul3A_416, %add3A_415 : vector<16xf32>
        %mul3A_418 = arith.constant 4.471500e-02 : f32
        %mul3A_419 = vector.broadcast %mul3A_418 : f32 to vector<16xf32>
        %mul3A_420 = arith.mulf %mul3A_419, %mul3A_417 : vector<16xf32>
        %add3A_421 = arith.addf %add3A_415, %mul3A_420 : vector<16xf32>
        %mul3A_422 = arith.constant 1.59576917 : f32
        %mul3A_423 = vector.broadcast %mul3A_422 : f32 to vector<16xf32>
        %mul3A_424 = arith.mulf %mul3A_423, %add3A_421 : vector<16xf32>
        %jit3A_425 = arith.constant -3.000000e+01 : f32
        %jit3A_426 = arith.constant 3.000000e+01 : f32
        %max3A_427 = vector.broadcast %jit3A_425 : f32 to vector<16xf32>
        %max3A_428 = arith.maximumf %max3A_427, %mul3A_424 : vector<16xf32>
        %min3A_429 = vector.broadcast %jit3A_426 : f32 to vector<16xf32>
        %min3A_430 = arith.minimumf %min3A_429, %max3A_428 : vector<16xf32>
        %exp3A_431 = math.exp %min3A_430 : vector<16xf32>
        %add3A_432 = arith.constant 1.000000e+00 : f32
        %add3A_433 = vector.broadcast %add3A_432 : f32 to vector<16xf32>
        %add3A_434 = arith.addf %exp3A_431, %add3A_433 : vector<16xf32>
        %div3A_435 = arith.divf %exp3A_431, %add3A_434 : vector<16xf32>
        %mul3A_436 = arith.mulf %add3A_415, %div3A_435 : vector<16xf32>
        %swap3A_437 = arith.index_cast %scan3A_402 : i32 to index
        %swap3A_438 = arith.constant 0 : index
        %swap3A_439 = tpu.vector_load %arg10[%swap3A_437, %swap3A_438] {strides = array<i32>} : memref<64x128xf32, #tpu.memory_space<vmem>>, vector<16xf32>,
        tpu.vector_store %arg10[%swap3A_437, %swap3A_438], %mul3A_436 {strides = array<i32>} : memref<64x128xf32, #tpu.memory_space<vmem>>, vector<16xf32>,
        %get3A_440 = arith.index_cast %scan3A_402 : i32 to index
        %get3A_441 = arith.constant 16 : index
        %get3A_442 = tpu.vector_load %arg9[%get3A_440, %get3A_441] {strides = array<i32>} : memref<128x128xf32, #tpu.memory_space<vmem>>, vector<16xf32>,
        %add3A_443 = arith.constant 64 : i32
        %add3A_444 = arith.addi %add3A_443, %scan3A_402 : i32
        %get3A_445 = arith.index_cast %add3A_444 : i32 to index
        %get3A_446 = arith.constant 16 : index
        %get3A_447 = tpu.vector_load %arg9[%get3A_445, %get3A_446] {strides = array<i32>} : memref<128x128xf32, #tpu.memory_space<vmem>>, vector<16xf32>,
        %add3A_448 = arith.addf %get3A_442, %get3A_447 : vector<16xf32>
        %get3A_449 = arith.index_cast %scan3A_402 : i32 to index
        %get3A_450 = arith.constant 16 : index
        %get3A_451 = tpu.vector_load %arg10[%get3A_449, %get3A_450] {strides = array<i32>} : memref<64x128xf32, #tpu.memory_space<vmem>>, vector<16xf32>,
        %add3A_452 = arith.addf %add3A_448, %get3A_451 : vector<16xf32>
        %mul3A_453 = arith.mulf %add3A_452, %add3A_452 : vector<16xf32>
        %mul3A_454 = arith.mulf %mul3A_453, %add3A_452 : vector<16xf32>
        %mul3A_455 = arith.constant 4.471500e-02 : f32
        %mul3A_456 = vector.broadcast %mul3A_455 : f32 to vector<16xf32>
        %mul3A_457 = arith.mulf %mul3A_456, %mul3A_454 : vector<16xf32>
        %add3A_458 = arith.addf %add3A_452, %mul3A_457 : vector<16xf32>
        %mul3A_459 = arith.constant 1.59576917 : f32
        %mul3A_460 = vector.broadcast %mul3A_459 : f32 to vector<16xf32>
        %mul3A_461 = arith.mulf %mul3A_460, %add3A_458 : vector<16xf32>
        %jit3A_462 = arith.constant -3.000000e+01 : f32
        %jit3A_463 = arith.constant 3.000000e+01 : f32
        %max3A_464 = vector.broadcast %jit3A_462 : f32 to vector<16xf32>
        %max3A_465 = arith.maximumf %max3A_464, %mul3A_461 : vector<16xf32>
        %min3A_466 = vector.broadcast %jit3A_463 : f32 to vector<16xf32>
        %min3A_467 = arith.minimumf %min3A_466, %max3A_465 : vector<16xf32>
        %exp3A_468 = math.exp %min3A_467 : vector<16xf32>
        %add3A_469 = arith.constant 1.000000e+00 : f32
        %add3A_470 = vector.broadcast %add3A_469 : f32 to vector<16xf32>
        %add3A_471 = arith.addf %exp3A_468, %add3A_470 : vector<16xf32>
        %div3A_472 = arith.divf %exp3A_468, %add3A_471 : vector<16xf32>
        %mul3A_473 = arith.mulf %add3A_452, %div3A_472 : vector<16xf32>
        %swap3A_474 = arith.index_cast %scan3A_402 : i32 to index
        %swap3A_475 = arith.constant 16 : index
        %swap3A_476 = tpu.vector_load %arg10[%swap3A_474, %swap3A_475] {strides = array<i32>} : memref<64x128xf32, #tpu.memory_space<vmem>>, vector<16xf32>,
        tpu.vector_store %arg10[%swap3A_474, %swap3A_475], %mul3A_473 {strides = array<i32>} : memref<64x128xf32, #tpu.memory_space<vmem>>, vector<16xf32>,
        %get3A_477 = arith.index_cast %scan3A_402 : i32 to index
        %get3A_478 = arith.constant 32 : index
        %get3A_479 = tpu.vector_load %arg9[%get3A_477, %get3A_478] {strides = array<i32>} : memref<128x128xf32, #tpu.memory_space<vmem>>, vector<16xf32>,
        %add3A_480 = arith.constant 64 : i32
        %add3A_481 = arith.addi %add3A_480, %scan3A_402 : i32
        %get3A_482 = arith.index_cast %add3A_481 : i32 to index
        %get3A_483 = arith.constant 32 : index
        %get3A_484 = tpu.vector_load %arg9[%get3A_482, %get3A_483] {strides = array<i32>} : memref<128x128xf32, #tpu.memory_space<vmem>>, vector<16xf32>,
        %add3A_485 = arith.addf %get3A_479, %get3A_484 : vector<16xf32>
        %get3A_486 = arith.index_cast %scan3A_402 : i32 to index
        %get3A_487 = arith.constant 32 : index
        %get3A_488 = tpu.vector_load %arg10[%get3A_486, %get3A_487] {strides = array<i32>} : memref<64x128xf32, #tpu.memory_space<vmem>>, vector<16xf32>,
        %add3A_489 = arith.addf %add3A_485, %get3A_488 : vector<16xf32>
        %mul3A_490 = arith.mulf %add3A_489, %add3A_489 : vector<16xf32>
        %mul3A_491 = arith.mulf %mul3A_490, %add3A_489 : vector<16xf32>
        %mul3A_492 = arith.constant 4.471500e-02 : f32
        %mul3A_493 = vector.broadcast %mul3A_492 : f32 to vector<16xf32>
        %mul3A_494 = arith.mulf %mul3A_493, %mul3A_491 : vector<16xf32>
        %add3A_495 = arith.addf %add3A_489, %mul3A_494 : vector<16xf32>
        %mul3A_496 = arith.constant 1.59576917 : f32
        %mul3A_497 = vector.broadcast %mul3A_496 : f32 to vector<16xf32>
        %mul3A_498 = arith.mulf %mul3A_497, %add3A_495 : vector<16xf32>
        %jit3A_499 = arith.constant -3.000000e+01 : f32
        %jit3A_500 = arith.constant 3.000000e+01 : f32
        %max3A_501 = vector.broadcast %jit3A_499 : f32 to vector<16xf32>
        %max3A_502 = arith.maximumf %max3A_501, %mul3A_498 : vector<16xf32>
        %min3A_503 = vector.broadcast %jit3A_500 : f32 to vector<16xf32>
        %min3A_504 = arith.minimumf %min3A_503, %max3A_502 : vector<16xf32>
        %exp3A_505 = math.exp %min3A_504 : vector<16xf32>
        %add3A_506 = arith.constant 1.000000e+00 : f32
        %add3A_507 = vector.broadcast %add3A_506 : f32 to vector<16xf32>
        %add3A_508 = arith.addf %exp3A_505, %add3A_507 : vector<16xf32>
        %div3A_509 = arith.divf %exp3A_505, %add3A_508 : vector<16xf32>
        %mul3A_510 = arith.mulf %add3A_489, %div3A_509 : vector<16xf32>
        %swap3A_511 = arith.index_cast %scan3A_402 : i32 to index
        %swap3A_512 = arith.constant 32 : index
        %swap3A_513 = tpu.vector_load %arg10[%swap3A_511, %swap3A_512] {strides = array<i32>} : memref<64x128xf32, #tpu.memory_space<vmem>>, vector<16xf32>,
        tpu.vector_store %arg10[%swap3A_511, %swap3A_512], %mul3A_510 {strides = array<i32>} : memref<64x128xf32, #tpu.memory_space<vmem>>, vector<16xf32>,
        %get3A_514 = arith.index_cast %scan3A_402 : i32 to index
        %get3A_515 = arith.constant 48 : index
        %get3A_516 = tpu.vector_load %arg9[%get3A_514, %get3A_515] {strides = array<i32>} : memref<128x128xf32, #tpu.memory_space<vmem>>, vector<16xf32>,
        %add3A_517 = arith.constant 64 : i32
        %add3A_518 = arith.addi %add3A_517, %scan3A_402 : i32
        %get3A_519 = arith.index_cast %add3A_518 : i32 to index
        %get3A_520 = arith.constant 48 : index
        %get3A_521 = tpu.vector_load %arg9[%get3A_519, %get3A_520] {strides = array<i32>} : memref<128x128xf32, #tpu.memory_space<vmem>>, vector<16xf32>,
        %add3A_522 = arith.addf %get3A_516, %get3A_521 : vector<16xf32>
        %get3A_523 = arith.index_cast %scan3A_402 : i32 to index
        %get3A_524 = arith.constant 48 : index
        %get3A_525 = tpu.vector_load %arg10[%get3A_523, %get3A_524] {strides = array<i32>} : memref<64x128xf32, #tpu.memory_space<vmem>>, vector<16xf32>,
        %add3A_526 = arith.addf %add3A_522, %get3A_525 : vector<16xf32>
        %mul3A_527 = arith.mulf %add3A_526, %add3A_526 : vector<16xf32>
        %mul3A_528 = arith.mulf %mul3A_527, %add3A_526 : vector<16xf32>
        %mul3A_529 = arith.constant 4.471500e-02 : f32
        %mul3A_530 = vector.broadcast %mul3A_529 : f32 to vector<16xf32>
        %mul3A_531 = arith.mulf %mul3A_530, %mul3A_528 : vector<16xf32>
        %add3A_532 = arith.addf %add3A_526, %mul3A_531 : vector<16xf32>
        %mul3A_533 = arith.constant 1.59576917 : f32
        %mul3A_534 = vector.broadcast %mul3A_533 : f32 to vector<16xf32>
        %mul3A_535 = arith.mulf %mul3A_534, %add3A_532 : vector<16xf32>
        %jit3A_536 = arith.constant -3.000000e+01 : f32
        %jit3A_537 = arith.constant 3.000000e+01 : f32
        %max3A_538 = vector.broadcast %jit3A_536 : f32 to vector<16xf32>
        %max3A_539 = arith.maximumf %max3A_538, %mul3A_535 : vector<16xf32>
        %min3A_540 = vector.broadcast %jit3A_537 : f32 to vector<16xf32>
        %min3A_541 = arith.minimumf %min3A_540, %max3A_539 : vector<16xf32>
        %exp3A_542 = math.exp %min3A_541 : vector<16xf32>
        %add3A_543 = arith.constant 1.000000e+00 : f32
        %add3A_544 = vector.broadcast %add3A_543 : f32 to vector<16xf32>
        %add3A_545 = arith.addf %exp3A_542, %add3A_544 : vector<16xf32>
        %div3A_546 = arith.divf %exp3A_542, %add3A_545 : vector<16xf32>
        %mul3A_547 = arith.mulf %add3A_526, %div3A_546 : vector<16xf32>
        %swap3A_548 = arith.index_cast %scan3A_402 : i32 to index
        %swap3A_549 = arith.constant 48 : index
        %swap3A_550 = tpu.vector_load %arg10[%swap3A_548, %swap3A_549] {strides = array<i32>} : memref<64x128xf32, #tpu.memory_space<vmem>>, vector<16xf32>,
        tpu.vector_store %arg10[%swap3A_548, %swap3A_549], %mul3A_547 {strides = array<i32>} : memref<64x128xf32, #tpu.memory_space<vmem>>, vector<16xf32>,
        %get3A_551 = arith.index_cast %scan3A_402 : i32 to index
        %get3A_552 = arith.constant 64 : index
        %get3A_553 = tpu.vector_load %arg9[%get3A_551, %get3A_552] {strides = array<i32>} : memref<128x128xf32, #tpu.memory_space<vmem>>, vector<16xf32>,
        %add3A_554 = arith.constant 64 : i32
        %add3A_555 = arith.addi %add3A_554, %scan3A_402 : i32
        %get3A_556 = arith.index_cast %add3A_555 : i32 to index
        %get3A_557 = arith.constant 64 : index
        %get3A_558 = tpu.vector_load %arg9[%get3A_556, %get3A_557] {strides = array<i32>} : memref<128x128xf32, #tpu.memory_space<vmem>>, vector<16xf32>,
        %add3A_559 = arith.addf %get3A_553, %get3A_558 : vector<16xf32>
        %get3A_560 = arith.index_cast %scan3A_402 : i32 to index
        %get3A_561 = arith.constant 64 : index
        %get3A_562 = tpu.vector_load %arg10[%get3A_560, %get3A_561] {strides = array<i32>} : memref<64x128xf32, #tpu.memory_space<vmem>>, vector<16xf32>,
        %add3A_563 = arith.addf %add3A_559, %get3A_562 : vector<16xf32>
        %mul3A_564 = arith.mulf %add3A_563, %add3A_563 : vector<16xf32>
        %mul3A_565 = arith.mulf %mul3A_564, %add3A_563 : vector<16xf32>
        %mul3A_566 = arith.constant 4.471500e-02 : f32
        %mul3A_567 = vector.broadcast %mul3A_566 : f32 to vector<16xf32>
        %mul3A_568 = arith.mulf %mul3A_567, %mul3A_565 : vector<16xf32>
        %add3A_569 = arith.addf %add3A_563, %mul3A_568 : vector<16xf32>
        %mul3A_570 = arith.constant 1.59576917 : f32
        %mul3A_571 = vector.broadcast %mul3A_570 : f32 to vector<16xf32>
        %mul3A_572 = arith.mulf %mul3A_571, %add3A_569 : vector<16xf32>
        %jit3A_573 = arith.constant -3.000000e+01 : f32
        %jit3A_574 = arith.constant 3.000000e+01 : f32
        %max3A_575 = vector.broadcast %jit3A_573 : f32 to vector<16xf32>
        %max3A_576 = arith.maximumf %max3A_575, %mul3A_572 : vector<16xf32>
        %min3A_577 = vector.broadcast %jit3A_574 : f32 to vector<16xf32>
        %min3A_578 = arith.minimumf %min3A_577, %max3A_576 : vector<16xf32>
        %exp3A_579 = math.exp %min3A_578 : vector<16xf32>
        %add3A_580 = arith.constant 1.000000e+00 : f32
        %add3A_581 = vector.broadcast %add3A_580 : f32 to vector<16xf32>
        %add3A_582 = arith.addf %exp3A_579, %add3A_581 : vector<16xf32>
        %div3A_583 = arith.divf %exp3A_579, %add3A_582 : vector<16xf32>
        %mul3A_584 = arith.mulf %add3A_563, %div3A_583 : vector<16xf32>
        %swap3A_585 = arith.index_cast %scan3A_402 : i32 to index
        %swap3A_586 = arith.constant 64 : index
        %swap3A_587 = tpu.vector_load %arg10[%swap3A_585, %swap3A_586] {strides = array<i32>} : memref<64x128xf32, #tpu.memory_space<vmem>>, vector<16xf32>,
        tpu.vector_store %arg10[%swap3A_585, %swap3A_586], %mul3A_584 {strides = array<i32>} : memref<64x128xf32, #tpu.memory_space<vmem>>, vector<16xf32>,
        %get3A_588 = arith.index_cast %scan3A_402 : i32 to index
        %get3A_589 = arith.constant 80 : index
        %get3A_590 = tpu.vector_load %arg9[%get3A_588, %get3A_589] {strides = array<i32>} : memref<128x128xf32, #tpu.memory_space<vmem>>, vector<16xf32>,
        %add3A_591 = arith.constant 64 : i32
        %add3A_592 = arith.addi %add3A_591, %scan3A_402 : i32
        %get3A_593 = arith.index_cast %add3A_592 : i32 to index
        %get3A_594 = arith.constant 80 : index
        %get3A_595 = tpu.vector_load %arg9[%get3A_593, %get3A_594] {strides = array<i32>} : memref<128x128xf32, #tpu.memory_space<vmem>>, vector<16xf32>,
        %add3A_596 = arith.addf %get3A_590, %get3A_595 : vector<16xf32>
        %get3A_597 = arith.index_cast %scan3A_402 : i32 to index
        %get3A_598 = arith.constant 80 : index
        %get3A_599 = tpu.vector_load %arg10[%get3A_597, %get3A_598] {strides = array<i32>} : memref<64x128xf32, #tpu.memory_space<vmem>>, vector<16xf32>,
        %add3A_600 = arith.addf %add3A_596, %get3A_599 : vector<16xf32>
        %mul3A_601 = arith.mulf %add3A_600, %add3A_600 : vector<16xf32>
        %mul3A_602 = arith.mulf %mul3A_601, %add3A_600 : vector<16xf32>
        %mul3A_603 = arith.constant 4.471500e-02 : f32
        %mul3A_604 = vector.broadcast %mul3A_603 : f32 to vector<16xf32>
        %mul3A_605 = arith.mulf %mul3A_604, %mul3A_602 : vector<16xf32>
        %add3A_606 = arith.addf %add3A_600, %mul3A_605 : vector<16xf32>
        %mul3A_607 = arith.constant 1.59576917 : f32
        %mul3A_608 = vector.broadcast %mul3A_607 : f32 to vector<16xf32>
        %mul3A_609 = arith.mulf %mul3A_608, %add3A_606 : vector<16xf32>
        %jit3A_610 = arith.constant -3.000000e+01 : f32
        %jit3A_611 = arith.constant 3.000000e+01 : f32
        %max3A_612 = vector.broadcast %jit3A_610 : f32 to vector<16xf32>
        %max3A_613 = arith.maximumf %max3A_612, %mul3A_609 : vector<16xf32>
        %min3A_614 = vector.broadcast %jit3A_611 : f32 to vector<16xf32>
        %min3A_615 = arith.minimumf %min3A_614, %max3A_613 : vector<16xf32>
        %exp3A_616 = math.exp %min3A_615 : vector<16xf32>
        %add3A_617 = arith.constant 1.000000e+00 : f32
        %add3A_618 = vector.broadcast %add3A_617 : f32 to vector<16xf32>
        %add3A_619 = arith.addf %exp3A_616, %add3A_618 : vector<16xf32>
        %div3A_620 = arith.divf %exp3A_616, %add3A_619 : vector<16xf32>
        %mul3A_621 = arith.mulf %add3A_600, %div3A_620 : vector<16xf32>
        %swap3A_622 = arith.index_cast %scan3A_402 : i32 to index
        %swap3A_623 = arith.constant 80 : index
        %swap3A_624 = tpu.vector_load %arg10[%swap3A_622, %swap3A_623] {strides = array<i32>} : memref<64x128xf32, #tpu.memory_space<vmem>>, vector<16xf32>,
        tpu.vector_store %arg10[%swap3A_622, %swap3A_623], %mul3A_621 {strides = array<i32>} : memref<64x128xf32, #tpu.memory_space<vmem>>, vector<16xf32>,
        %get3A_625 = arith.index_cast %scan3A_402 : i32 to index
        %get3A_626 = arith.constant 96 : index
        %get3A_627 = tpu.vector_load %arg9[%get3A_625, %get3A_626] {strides = array<i32>} : memref<128x128xf32, #tpu.memory_space<vmem>>, vector<16xf32>,
        %add3A_628 = arith.constant 64 : i32
        %add3A_629 = arith.addi %add3A_628, %scan3A_402 : i32
        %get3A_630 = arith.index_cast %add3A_629 : i32 to index
        %get3A_631 = arith.constant 96 : index
        %get3A_632 = tpu.vector_load %arg9[%get3A_630, %get3A_631] {strides = array<i32>} : memref<128x128xf32, #tpu.memory_space<vmem>>, vector<16xf32>,
        %add3A_633 = arith.addf %get3A_627, %get3A_632 : vector<16xf32>
        %get3A_634 = arith.index_cast %scan3A_402 : i32 to index
        %get3A_635 = arith.constant 96 : index
        %get3A_636 = tpu.vector_load %arg10[%get3A_634, %get3A_635] {strides = array<i32>} : memref<64x128xf32, #tpu.memory_space<vmem>>, vector<16xf32>,
        %add3A_637 = arith.addf %add3A_633, %get3A_636 : vector<16xf32>
        %mul3A_638 = arith.mulf %add3A_637, %add3A_637 : vector<16xf32>
        %mul3A_639 = arith.mulf %mul3A_638, %add3A_637 : vector<16xf32>
        %mul3A_640 = arith.constant 4.471500e-02 : f32
        %mul3A_641 = vector.broadcast %mul3A_640 : f32 to vector<16xf32>
        %mul3A_642 = arith.mulf %mul3A_641, %mul3A_639 : vector<16xf32>
        %add3A_643 = arith.addf %add3A_637, %mul3A_642 : vector<16xf32>
        %mul3A_644 = arith.constant 1.59576917 : f32
        %mul3A_645 = vector.broadcast %mul3A_644 : f32 to vector<16xf32>
        %mul3A_646 = arith.mulf %mul3A_645, %add3A_643 : vector<16xf32>
        %jit3A_647 = arith.constant -3.000000e+01 : f32
        %jit3A_648 = arith.constant 3.000000e+01 : f32
        %max3A_649 = vector.broadcast %jit3A_647 : f32 to vector<16xf32>
        %max3A_650 = arith.maximumf %max3A_649, %mul3A_646 : vector<16xf32>
        %min3A_651 = vector.broadcast %jit3A_648 : f32 to vector<16xf32>
        %min3A_652 = arith.minimumf %min3A_651, %max3A_650 : vector<16xf32>
        %exp3A_653 = math.exp %min3A_652 : vector<16xf32>
        %add3A_654 = arith.constant 1.000000e+00 : f32
        %add3A_655 = vector.broadcast %add3A_654 : f32 to vector<16xf32>
        %add3A_656 = arith.addf %exp3A_653, %add3A_655 : vector<16xf32>
        %div3A_657 = arith.divf %exp3A_653, %add3A_656 : vector<16xf32>
        %mul3A_658 = arith.mulf %add3A_637, %div3A_657 : vector<16xf32>
        %swap3A_659 = arith.index_cast %scan3A_402 : i32 to index
        %swap3A_660 = arith.constant 96 : index
        %swap3A_661 = tpu.vector_load %arg10[%swap3A_659, %swap3A_660] {strides = array<i32>} : memref<64x128xf32, #tpu.memory_space<vmem>>, vector<16xf32>,
        tpu.vector_store %arg10[%swap3A_659, %swap3A_660], %mul3A_658 {strides = array<i32>} : memref<64x128xf32, #tpu.memory_space<vmem>>, vector<16xf32>,
        %get3A_662 = arith.index_cast %scan3A_402 : i32 to index
        %get3A_663 = arith.constant 112 : index
        %get3A_664 = tpu.vector_load %arg9[%get3A_662, %get3A_663] {strides = array<i32>} : memref<128x128xf32, #tpu.memory_space<vmem>>, vector<16xf32>,
        %add3A_665 = arith.constant 64 : i32
        %add3A_666 = arith.addi %add3A_665, %scan3A_402 : i32
        %get3A_667 = arith.index_cast %add3A_666 : i32 to index
        %get3A_668 = arith.constant 112 : index
        %get3A_669 = tpu.vector_load %arg9[%get3A_667, %get3A_668] {strides = array<i32>} : memref<128x128xf32, #tpu.memory_space<vmem>>, vector<16xf32>,
        %add3A_670 = arith.addf %get3A_664, %get3A_669 : vector<16xf32>
        %get3A_671 = arith.index_cast %scan3A_402 : i32 to index
        %get3A_672 = arith.constant 112 : index
        %get3A_673 = tpu.vector_load %arg10[%get3A_671, %get3A_672] {strides = array<i32>} : memref<64x128xf32, #tpu.memory_space<vmem>>, vector<16xf32>,
        %add3A_674 = arith.addf %add3A_670, %get3A_673 : vector<16xf32>
        %mul3A_675 = arith.mulf %add3A_674, %add3A_674 : vector<16xf32>
        %mul3A_676 = arith.mulf %mul3A_675, %add3A_674 : vector<16xf32>
        %mul3A_677 = arith.constant 4.471500e-02 : f32
        %mul3A_678 = vector.broadcast %mul3A_677 : f32 to vector<16xf32>
        %mul3A_679 = arith.mulf %mul3A_678, %mul3A_676 : vector<16xf32>
        %add3A_680 = arith.addf %add3A_674, %mul3A_679 : vector<16xf32>
        %mul3A_681 = arith.constant 1.59576917 : f32
        %mul3A_682 = vector.broadcast %mul3A_681 : f32 to vector<16xf32>
        %mul3A_683 = arith.mulf %mul3A_682, %add3A_680 : vector<16xf32>
        %jit3A_684 = arith.constant -3.000000e+01 : f32
        %jit3A_685 = arith.constant 3.000000e+01 : f32
        %max3A_686 = vector.broadcast %jit3A_684 : f32 to vector<16xf32>
        %max3A_687 = arith.maximumf %max3A_686, %mul3A_683 : vector<16xf32>
        %min3A_688 = vector.broadcast %jit3A_685 : f32 to vector<16xf32>
        %min3A_689 = arith.minimumf %min3A_688, %max3A_687 : vector<16xf32>
        %exp3A_690 = math.exp %min3A_689 : vector<16xf32>
        %add3A_691 = arith.constant 1.000000e+00 : f32
        %add3A_692 = vector.broadcast %add3A_691 : f32 to vector<16xf32>
        %add3A_693 = arith.addf %exp3A_690, %add3A_692 : vector<16xf32>
        %div3A_694 = arith.divf %exp3A_690, %add3A_693 : vector<16xf32>
        %mul3A_695 = arith.mulf %add3A_674, %div3A_694 : vector<16xf32>
        %swap3A_696 = arith.index_cast %scan3A_402 : i32 to index
        %swap3A_697 = arith.constant 112 : index
        %swap3A_698 = tpu.vector_load %arg10[%swap3A_696, %swap3A_697] {strides = array<i32>} : memref<64x128xf32, #tpu.memory_space<vmem>>, vector<16xf32>,
        tpu.vector_store %arg10[%swap3A_696, %swap3A_697], %mul3A_695 {strides = array<i32>} : memref<64x128xf32, #tpu.memory_space<vmem>>, vector<16xf32>,
      }
      %scan3A_100 = arith.constant 64 : i32
      %get3A_101 = arith.constant 0 : index
      %get3A_102 = tpu.vector_load %arg8[%get3A_101] {strides = array<i32>} : memref<64xi32, #tpu.memory_space<vmem>>, vector<16xi32>,
      tpu.vector_store_idx %arg11[%get3A_102], %broadcast_in_dim3A_38 {add = true} : memref<10240xf32, #tpu.memory_space<vmem>>[vector<16xi32>], vector<16xf32>,
      %get3A_103 = arith.constant 16 : index
      %get3A_104 = tpu.vector_load %arg8[%get3A_103] {strides = array<i32>} : memref<64xi32, #tpu.memory_space<vmem>>, vector<16xi32>,
      tpu.vector_store_idx %arg11[%get3A_104], %broadcast_in_dim3A_38 {add = true} : memref<10240xf32, #tpu.memory_space<vmem>>[vector<16xi32>], vector<16xf32>,
      %get3A_105 = arith.constant 32 : index
      %get3A_106 = tpu.vector_load %arg8[%get3A_105] {strides = array<i32>} : memref<64xi32, #tpu.memory_space<vmem>>, vector<16xi32>,
      tpu.vector_store_idx %arg11[%get3A_106], %broadcast_in_dim3A_38 {add = true} : memref<10240xf32, #tpu.memory_space<vmem>>[vector<16xi32>], vector<16xf32>,
      %get3A_107 = arith.constant 48 : index
      %get3A_108 = tpu.vector_load %arg8[%get3A_107] {strides = array<i32>} : memref<64xi32, #tpu.memory_space<vmem>>, vector<16xi32>,
      tpu.vector_store_idx %arg11[%get3A_108], %broadcast_in_dim3A_38 {add = true} : memref<10240xf32, #tpu.memory_space<vmem>>[vector<16xi32>], vector<16xf32>,
      "tpu.region"() ({
        %run_scoped3A = tpu.sem_alloc : memref<!tpu.dma_semaphore, #tpu.memory_space<semaphore_mem>>
        %dma_start3A_109 = arith.constant 0 : i32
        %dma_start3A_110 = arith.constant 0 : i32
        %dma_start3A_111 = tpu.memref_slice %arg12[%dma_start3A_109, %dma_start3A_110] : memref<10240x128xf32, #tpu.memory_space<vmem_shared>> -> memref<10240x128xf32, #tpu.memory_space<vmem_shared>>
        tpu.enqueue_indirect_dma source(%arg10 : memref<64x128xf32, #tpu.memory_space<vmem>>) target(%dma_start3A_111 : memref<10240x128xf32, #tpu.memory_space<vmem_shared>>) offsets(%arg8 : memref<64xi32, #tpu.memory_space<vmem>>) semaphore(%run_scoped3A : memref<!tpu.dma_semaphore, #tpu.memory_space<semaphore_mem>>) {add = true}
        %dma_wait3A_112 = arith.constant 0 : i32
        %dma_wait3A_113 = arith.constant 0 : i32
        %dma_wait3A_114 = tpu.memref_slice %arg12[%dma_wait3A_112, %dma_wait3A_113] : memref<10240x128xf32, #tpu.memory_space<vmem_shared>> -> memref<10240x128xf32, #tpu.memory_space<vmem_shared>>
        tpu.wait_indirect_dma semaphore(%run_scoped3A : memref<!tpu.dma_semaphore, #tpu.memory_space<semaphore_mem>>) src(%arg10 : memref<64x128xf32, #tpu.memory_space<vmem>>) dst(%dma_wait3A_114 : memref<10240x128xf32, #tpu.memory_space<vmem_shared>>)
        tpu.yield
      }) : () -> ()
    }
    %scan3A_44 = arith.constant 157 : i32
    %barrier3A_45 = arith.constant 0 : index
    tpu.barrier barrier_id(%barrier3A_45)
    %add3A_46 = arith.constant 0 : i32
    %add3A_47 = arith.addi %mul3A_14, %add3A_46 : i32
    "tpu.region"() ({
      %run_scoped3A = tpu.sem_alloc : memref<!tpu.dma_semaphore, #tpu.memory_space<semaphore_mem>>
      %dma_start3A = arith.constant 0 : i32
      %dma_start3A_66 = tpu.memref_slice %arg5[%arg0, %add3A_47, %dma_start3A] : memref<2x10240x128xf32, #tpu.memory_space<hbm>> -> memref<1x64x128xf32, #tpu.memory_space<hbm>>
      %dma_start3A_67 = tpu.memref_squeeze %dma_start3A_66 : memref<1x64x128xf32, #tpu.memory_space<hbm>> -> memref<64x128xf32, #tpu.memory_space<hbm>>
      %dma_start3A_68 = arith.constant 0 : i32
      %dma_start3A_69 = tpu.memref_slice %arg12[%add3A_47, %dma_start3A_68] : memref<10240x128xf32, #tpu.memory_space<vmem_shared>> -> memref<64x128xf32, #tpu.memory_space<vmem_shared>>
      tpu.enqueue_dma source(%dma_start3A_69 : memref<64x128xf32, #tpu.memory_space<vmem_shared>>) target(%dma_start3A_67 : memref<64x128xf32, #tpu.memory_space<hbm>>) target_semaphore(%run_scoped3A : memref<!tpu.dma_semaphore, #tpu.memory_space<semaphore_mem>>)
      %dma_wait3A = arith.constant 0 : i32
      %dma_wait3A_70 = tpu.memref_slice %arg5[%arg0, %add3A_47, %dma_wait3A] : memref<2x10240x128xf32, #tpu.memory_space<hbm>> -> memref<1x64x128xf32, #tpu.memory_space<hbm>>
      %dma_wait3A_71 = tpu.memref_squeeze %dma_wait3A_70 : memref<1x64x128xf32, #tpu.memory_space<hbm>> -> memref<64x128xf32, #tpu.memory_space<hbm>>
      %dma_wait3A_72 = arith.constant 0 : i32
      %dma_wait3A_73 = tpu.memref_slice %arg12[%add3A_47, %dma_wait3A_72] : memref<10240x128xf32, #tpu.memory_space<vmem_shared>> -> memref<64x128xf32, #tpu.memory_space<vmem_shared>>
      tpu.wait_dma2 semaphore(%run_scoped3A : memref<!tpu.dma_semaphore, #tpu.memory_space<semaphore_mem>>) src(%dma_wait3A_73 : memref<64x128xf32, #tpu.memory_space<vmem_shared>>) dst(%dma_wait3A_71 : memref<64x128xf32, #tpu.memory_space<hbm>>)
      tpu.yield
    }) : () -> ()
    %add3A_48 = arith.constant 64 : i32
    %add3A_49 = arith.addi %mul3A_14, %add3A_48 : i32
    "tpu.region"() ({
      %run_scoped3A = tpu.sem_alloc : memref<!tpu.dma_semaphore, #tpu.memory_space<semaphore_mem>>
      %dma_start3A = arith.constant 0 : i32
      %dma_start3A_66 = tpu.memref_slice %arg5[%arg0, %add3A_49, %dma_start3A] : memref<2x10240x128xf32, #tpu.memory_space<hbm>> -> memref<1x64x128xf32, #tpu.memory_space<hbm>>
      %dma_start3A_67 = tpu.memref_squeeze %dma_start3A_66 : memref<1x64x128xf32, #tpu.memory_space<hbm>> -> memref<64x128xf32, #tpu.memory_space<hbm>>
      %dma_start3A_68 = arith.constant 0 : i32
      %dma_start3A_69 = tpu.memref_slice %arg12[%add3A_49, %dma_start3A_68] : memref<10240x128xf32, #tpu.memory_space<vmem_shared>> -> memref<64x128xf32, #tpu.memory_space<vmem_shared>>
      tpu.enqueue_dma source(%dma_start3A_69 : memref<64x128xf32, #tpu.memory_space<vmem_shared>>) target(%dma_start3A_67 : memref<64x128xf32, #tpu.memory_space<hbm>>) target_semaphore(%run_scoped3A : memref<!tpu.dma_semaphore, #tpu.memory_space<semaphore_mem>>)
      %dma_wait3A = arith.constant 0 : i32
      %dma_wait3A_70 = tpu.memref_slice %arg5[%arg0, %add3A_49, %dma_wait3A] : memref<2x10240x128xf32, #tpu.memory_space<hbm>> -> memref<1x64x128xf32, #tpu.memory_space<hbm>>
      %dma_wait3A_71 = tpu.memref_squeeze %dma_wait3A_70 : memref<1x64x128xf32, #tpu.memory_space<hbm>> -> memref<64x128xf32, #tpu.memory_space<hbm>>
      %dma_wait3A_72 = arith.constant 0 : i32
      %dma_wait3A_73 = tpu.memref_slice %arg12[%add3A_49, %dma_wait3A_72] : memref<10240x128xf32, #tpu.memory_space<vmem_shared>> -> memref<64x128xf32, #tpu.memory_space<vmem_shared>>
      tpu.wait_dma2 semaphore(%run_scoped3A : memref<!tpu.dma_semaphore, #tpu.memory_space<semaphore_mem>>) src(%dma_wait3A_73 : memref<64x128xf32, #tpu.memory_space<vmem_shared>>) dst(%dma_wait3A_71 : memref<64x128xf32, #tpu.memory_space<hbm>>)
      tpu.yield
    }) : () -> ()
    %add3A_50 = arith.constant 128 : i32
    %add3A_51 = arith.addi %mul3A_14, %add3A_50 : i32
    "tpu.region"() ({
      %run_scoped3A = tpu.sem_alloc : memref<!tpu.dma_semaphore, #tpu.memory_space<semaphore_mem>>
      %dma_start3A = arith.constant 0 : i32
      %dma_start3A_66 = tpu.memref_slice %arg5[%arg0, %add3A_51, %dma_start3A] : memref<2x10240x128xf32, #tpu.memory_space<hbm>> -> memref<1x64x128xf32, #tpu.memory_space<hbm>>
      %dma_start3A_67 = tpu.memref_squeeze %dma_start3A_66 : memref<1x64x128xf32, #tpu.memory_space<hbm>> -> memref<64x128xf32, #tpu.memory_space<hbm>>
      %dma_start3A_68 = arith.constant 0 : i32
      %dma_start3A_69 = tpu.memref_slice %arg12[%add3A_51, %dma_start3A_68] : memref<10240x128xf32, #tpu.memory_space<vmem_shared>> -> memref<64x128xf32, #tpu.memory_space<vmem_shared>>
      tpu.enqueue_dma source(%dma_start3A_69 : memref<64x128xf32, #tpu.memory_space<vmem_shared>>) target(%dma_start3A_67 : memref<64x128xf32, #tpu.memory_space<hbm>>) target_semaphore(%run_scoped3A : memref<!tpu.dma_semaphore, #tpu.memory_space<semaphore_mem>>)
      %dma_wait3A = arith.constant 0 : i32
      %dma_wait3A_70 = tpu.memref_slice %arg5[%arg0, %add3A_51, %dma_wait3A] : memref<2x10240x128xf32, #tpu.memory_space<hbm>> -> memref<1x64x128xf32, #tpu.memory_space<hbm>>
      %dma_wait3A_71 = tpu.memref_squeeze %dma_wait3A_70 : memref<1x64x128xf32, #tpu.memory_space<hbm>> -> memref<64x128xf32, #tpu.memory_space<hbm>>
      %dma_wait3A_72 = arith.constant 0 : i32
      %dma_wait3A_73 = tpu.memref_slice %arg12[%add3A_51, %dma_wait3A_72] : memref<10240x128xf32, #tpu.memory_space<vmem_shared>> -> memref<64x128xf32, #tpu.memory_space<vmem_shared>>
      tpu.wait_dma2 semaphore(%run_scoped3A : memref<!tpu.dma_semaphore, #tpu.memory_space<semaphore_mem>>) src(%dma_wait3A_73 : memref<64x128xf32, #tpu.memory_space<vmem_shared>>) dst(%dma_wait3A_71 : memref<64x128xf32, #tpu.memory_space<hbm>>)
      tpu.yield
    }) : () -> ()
    %add3A_52 = arith.constant 192 : i32
    %add3A_53 = arith.addi %mul3A_14, %add3A_52 : i32
    "tpu.region"() ({
      %run_scoped3A = tpu.sem_alloc : memref<!tpu.dma_semaphore, #tpu.memory_space<semaphore_mem>>
      %dma_start3A = arith.constant 0 : i32
      %dma_start3A_66 = tpu.memref_slice %arg5[%arg0, %add3A_53, %dma_start3A] : memref<2x10240x128xf32, #tpu.memory_space<hbm>> -> memref<1x64x128xf32, #tpu.memory_space<hbm>>
      %dma_start3A_67 = tpu.memref_squeeze %dma_start3A_66 : memref<1x64x128xf32, #tpu.memory_space<hbm>> -> memref<64x128xf32, #tpu.memory_space<hbm>>
      %dma_start3A_68 = arith.constant 0 : i32
      %dma_start3A_69 = tpu.memref_slice %arg12[%add3A_53, %dma_start3A_68] : memref<10240x128xf32, #tpu.memory_space<vmem_shared>> -> memref<64x128xf32, #tpu.memory_space<vmem_shared>>
      tpu.enqueue_dma source(%dma_start3A_69 : memref<64x128xf32, #tpu.memory_space<vmem_shared>>) target(%dma_start3A_67 : memref<64x128xf32, #tpu.memory_space<hbm>>) target_semaphore(%run_scoped3A : memref<!tpu.dma_semaphore, #tpu.memory_space<semaphore_mem>>)
      %dma_wait3A = arith.constant 0 : i32
      %dma_wait3A_70 = tpu.memref_slice %arg5[%arg0, %add3A_53, %dma_wait3A] : memref<2x10240x128xf32, #tpu.memory_space<hbm>> -> memref<1x64x128xf32, #tpu.memory_space<hbm>>
      %dma_wait3A_71 = tpu.memref_squeeze %dma_wait3A_70 : memref<1x64x128xf32, #tpu.memory_space<hbm>> -> memref<64x128xf32, #tpu.memory_space<hbm>>
      %dma_wait3A_72 = arith.constant 0 : i32
      %dma_wait3A_73 = tpu.memref_slice %arg12[%add3A_53, %dma_wait3A_72] : memref<10240x128xf32, #tpu.memory_space<vmem_shared>> -> memref<64x128xf32, #tpu.memory_space<vmem_shared>>
      tpu.wait_dma2 semaphore(%run_scoped3A : memref<!tpu.dma_semaphore, #tpu.memory_space<semaphore_mem>>) src(%dma_wait3A_73 : memref<64x128xf32, #tpu.memory_space<vmem_shared>>) dst(%dma_wait3A_71 : memref<64x128xf32, #tpu.memory_space<hbm>>)
      tpu.yield
    }) : () -> ()
    %add3A_54 = arith.constant 256 : i32
    %add3A_55 = arith.addi %mul3A_14, %add3A_54 : i32
    "tpu.region"() ({
      %run_scoped3A = tpu.sem_alloc : memref<!tpu.dma_semaphore, #tpu.memory_space<semaphore_mem>>
      %dma_start3A = arith.constant 0 : i32
      %dma_start3A_66 = tpu.memref_slice %arg5[%arg0, %add3A_55, %dma_start3A] : memref<2x10240x128xf32, #tpu.memory_space<hbm>> -> memref<1x64x128xf32, #tpu.memory_space<hbm>>
      %dma_start3A_67 = tpu.memref_squeeze %dma_start3A_66 : memref<1x64x128xf32, #tpu.memory_space<hbm>> -> memref<64x128xf32, #tpu.memory_space<hbm>>
      %dma_start3A_68 = arith.constant 0 : i32
      %dma_start3A_69 = tpu.memref_slice %arg12[%add3A_55, %dma_start3A_68] : memref<10240x128xf32, #tpu.memory_space<vmem_shared>> -> memref<64x128xf32, #tpu.memory_space<vmem_shared>>
      tpu.enqueue_dma source(%dma_start3A_69 : memref<64x128xf32, #tpu.memory_space<vmem_shared>>) target(%dma_start3A_67 : memref<64x128xf32, #tpu.memory_space<hbm>>) target_semaphore(%run_scoped3A : memref<!tpu.dma_semaphore, #tpu.memory_space<semaphore_mem>>)
      %dma_wait3A = arith.constant 0 : i32
      %dma_wait3A_70 = tpu.memref_slice %arg5[%arg0, %add3A_55, %dma_wait3A] : memref<2x10240x128xf32, #tpu.memory_space<hbm>> -> memref<1x64x128xf32, #tpu.memory_space<hbm>>
      %dma_wait3A_71 = tpu.memref_squeeze %dma_wait3A_70 : memref<1x64x128xf32, #tpu.memory_space<hbm>> -> memref<64x128xf32, #tpu.memory_space<hbm>>
      %dma_wait3A_72 = arith.constant 0 : i32
      %dma_wait3A_73 = tpu.memref_slice %arg12[%add3A_55, %dma_wait3A_72] : memref<10240x128xf32, #tpu.memory_space<vmem_shared>> -> memref<64x128xf32, #tpu.memory_space<vmem_shared>>
      tpu.wait_dma2 semaphore(%run_scoped3A : memref<!tpu.dma_semaphore, #tpu.memory_space<semaphore_mem>>) src(%dma_wait3A_73 : memref<64x128xf32, #tpu.memory_space<vmem_shared>>) dst(%dma_wait3A_71 : memref<64x128xf32, #tpu.memory_space<hbm>>)
      tpu.yield
    }) : () -> ()
    %add3A_56 = arith.constant 320 : i32
    %add3A_57 = arith.addi %mul3A_14, %add3A_56 : i32
    "tpu.region"() ({
      %run_scoped3A = tpu.sem_alloc : memref<!tpu.dma_semaphore, #tpu.memory_space<semaphore_mem>>
      %dma_start3A = arith.constant 0 : i32
      %dma_start3A_66 = tpu.memref_slice %arg5[%arg0, %add3A_57, %dma_start3A] : memref<2x10240x128xf32, #tpu.memory_space<hbm>> -> memref<1x64x128xf32, #tpu.memory_space<hbm>>
      %dma_start3A_67 = tpu.memref_squeeze %dma_start3A_66 : memref<1x64x128xf32, #tpu.memory_space<hbm>> -> memref<64x128xf32, #tpu.memory_space<hbm>>
      %dma_start3A_68 = arith.constant 0 : i32
      %dma_start3A_69 = tpu.memref_slice %arg12[%add3A_57, %dma_start3A_68] : memref<10240x128xf32, #tpu.memory_space<vmem_shared>> -> memref<64x128xf32, #tpu.memory_space<vmem_shared>>
      tpu.enqueue_dma source(%dma_start3A_69 : memref<64x128xf32, #tpu.memory_space<vmem_shared>>) target(%dma_start3A_67 : memref<64x128xf32, #tpu.memory_space<hbm>>) target_semaphore(%run_scoped3A : memref<!tpu.dma_semaphore, #tpu.memory_space<semaphore_mem>>)
      %dma_wait3A = arith.constant 0 : i32
      %dma_wait3A_70 = tpu.memref_slice %arg5[%arg0, %add3A_57, %dma_wait3A] : memref<2x10240x128xf32, #tpu.memory_space<hbm>> -> memref<1x64x128xf32, #tpu.memory_space<hbm>>
      %dma_wait3A_71 = tpu.memref_squeeze %dma_wait3A_70 : memref<1x64x128xf32, #tpu.memory_space<hbm>> -> memref<64x128xf32, #tpu.memory_space<hbm>>
      %dma_wait3A_72 = arith.constant 0 : i32
      %dma_wait3A_73 = tpu.memref_slice %arg12[%add3A_57, %dma_wait3A_72] : memref<10240x128xf32, #tpu.memory_space<vmem_shared>> -> memref<64x128xf32, #tpu.memory_space<vmem_shared>>
      tpu.wait_dma2 semaphore(%run_scoped3A : memref<!tpu.dma_semaphore, #tpu.memory_space<semaphore_mem>>) src(%dma_wait3A_73 : memref<64x128xf32, #tpu.memory_space<vmem_shared>>) dst(%dma_wait3A_71 : memref<64x128xf32, #tpu.memory_space<hbm>>)
      tpu.yield
    }) : () -> ()
    %add3A_58 = arith.constant 384 : i32
    %add3A_59 = arith.addi %mul3A_14, %add3A_58 : i32
    "tpu.region"() ({
      %run_scoped3A = tpu.sem_alloc : memref<!tpu.dma_semaphore, #tpu.memory_space<semaphore_mem>>
      %dma_start3A = arith.constant 0 : i32
      %dma_start3A_66 = tpu.memref_slice %arg5[%arg0, %add3A_59, %dma_start3A] : memref<2x10240x128xf32, #tpu.memory_space<hbm>> -> memref<1x64x128xf32, #tpu.memory_space<hbm>>
      %dma_start3A_67 = tpu.memref_squeeze %dma_start3A_66 : memref<1x64x128xf32, #tpu.memory_space<hbm>> -> memref<64x128xf32, #tpu.memory_space<hbm>>
      %dma_start3A_68 = arith.constant 0 : i32
      %dma_start3A_69 = tpu.memref_slice %arg12[%add3A_59, %dma_start3A_68] : memref<10240x128xf32, #tpu.memory_space<vmem_shared>> -> memref<64x128xf32, #tpu.memory_space<vmem_shared>>
      tpu.enqueue_dma source(%dma_start3A_69 : memref<64x128xf32, #tpu.memory_space<vmem_shared>>) target(%dma_start3A_67 : memref<64x128xf32, #tpu.memory_space<hbm>>) target_semaphore(%run_scoped3A : memref<!tpu.dma_semaphore, #tpu.memory_space<semaphore_mem>>)
      %dma_wait3A = arith.constant 0 : i32
      %dma_wait3A_70 = tpu.memref_slice %arg5[%arg0, %add3A_59, %dma_wait3A] : memref<2x10240x128xf32, #tpu.memory_space<hbm>> -> memref<1x64x128xf32, #tpu.memory_space<hbm>>
      %dma_wait3A_71 = tpu.memref_squeeze %dma_wait3A_70 : memref<1x64x128xf32, #tpu.memory_space<hbm>> -> memref<64x128xf32, #tpu.memory_space<hbm>>
      %dma_wait3A_72 = arith.constant 0 : i32
      %dma_wait3A_73 = tpu.memref_slice %arg12[%add3A_59, %dma_wait3A_72] : memref<10240x128xf32, #tpu.memory_space<vmem_shared>> -> memref<64x128xf32, #tpu.memory_space<vmem_shared>>
      tpu.wait_dma2 semaphore(%run_scoped3A : memref<!tpu.dma_semaphore, #tpu.memory_space<semaphore_mem>>) src(%dma_wait3A_73 : memref<64x128xf32, #tpu.memory_space<vmem_shared>>) dst(%dma_wait3A_71 : memref<64x128xf32, #tpu.memory_space<hbm>>)
      tpu.yield
    }) : () -> ()
    %add3A_60 = arith.constant 448 : i32
    %add3A_61 = arith.addi %mul3A_14, %add3A_60 : i32
    "tpu.region"() ({
      %run_scoped3A = tpu.sem_alloc : memref<!tpu.dma_semaphore, #tpu.memory_space<semaphore_mem>>
      %dma_start3A = arith.constant 0 : i32
      %dma_start3A_66 = tpu.memref_slice %arg5[%arg0, %add3A_61, %dma_start3A] : memref<2x10240x128xf32, #tpu.memory_space<hbm>> -> memref<1x64x128xf32, #tpu.memory_space<hbm>>
      %dma_start3A_67 = tpu.memref_squeeze %dma_start3A_66 : memref<1x64x128xf32, #tpu.memory_space<hbm>> -> memref<64x128xf32, #tpu.memory_space<hbm>>
      %dma_start3A_68 = arith.constant 0 : i32
      %dma_start3A_69 = tpu.memref_slice %arg12[%add3A_61, %dma_start3A_68] : memref<10240x128xf32, #tpu.memory_space<vmem_shared>> -> memref<64x128xf32, #tpu.memory_space<vmem_shared>>
      tpu.enqueue_dma source(%dma_start3A_69 : memref<64x128xf32, #tpu.memory_space<vmem_shared>>) target(%dma_start3A_67 : memref<64x128xf32, #tpu.memory_space<hbm>>) target_semaphore(%run_scoped3A : memref<!tpu.dma_semaphore, #tpu.memory_space<semaphore_mem>>)
      %dma_wait3A = arith.constant 0 : i32
      %dma_wait3A_70 = tpu.memref_slice %arg5[%arg0, %add3A_61, %dma_wait3A] : memref<2x10240x128xf32, #tpu.memory_space<hbm>> -> memref<1x64x128xf32, #tpu.memory_space<hbm>>
      %dma_wait3A_71 = tpu.memref_squeeze %dma_wait3A_70 : memref<1x64x128xf32, #tpu.memory_space<hbm>> -> memref<64x128xf32, #tpu.memory_space<hbm>>
      %dma_wait3A_72 = arith.constant 0 : i32
      %dma_wait3A_73 = tpu.memref_slice %arg12[%add3A_61, %dma_wait3A_72] : memref<10240x128xf32, #tpu.memory_space<vmem_shared>> -> memref<64x128xf32, #tpu.memory_space<vmem_shared>>
      tpu.wait_dma2 semaphore(%run_scoped3A : memref<!tpu.dma_semaphore, #tpu.memory_space<semaphore_mem>>) src(%dma_wait3A_73 : memref<64x128xf32, #tpu.memory_space<vmem_shared>>) dst(%dma_wait3A_71 : memref<64x128xf32, #tpu.memory_space<hbm>>)
      tpu.yield
    }) : () -> ()
    %add3A_62 = arith.constant 512 : i32
    %add3A_63 = arith.addi %mul3A_14, %add3A_62 : i32
    "tpu.region"() ({
      %run_scoped3A = tpu.sem_alloc : memref<!tpu.dma_semaphore, #tpu.memory_space<semaphore_mem>>
      %dma_start3A = arith.constant 0 : i32
      %dma_start3A_66 = tpu.memref_slice %arg5[%arg0, %add3A_63, %dma_start3A] : memref<2x10240x128xf32, #tpu.memory_space<hbm>> -> memref<1x64x128xf32, #tpu.memory_space<hbm>>
      %dma_start3A_67 = tpu.memref_squeeze %dma_start3A_66 : memref<1x64x128xf32, #tpu.memory_space<hbm>> -> memref<64x128xf32, #tpu.memory_space<hbm>>
      %dma_start3A_68 = arith.constant 0 : i32
      %dma_start3A_69 = tpu.memref_slice %arg12[%add3A_63, %dma_start3A_68] : memref<10240x128xf32, #tpu.memory_space<vmem_shared>> -> memref<64x128xf32, #tpu.memory_space<vmem_shared>>
      tpu.enqueue_dma source(%dma_start3A_69 : memref<64x128xf32, #tpu.memory_space<vmem_shared>>) target(%dma_start3A_67 : memref<64x128xf32, #tpu.memory_space<hbm>>) target_semaphore(%run_scoped3A : memref<!tpu.dma_semaphore, #tpu.memory_space<semaphore_mem>>)
      %dma_wait3A = arith.constant 0 : i32
      %dma_wait3A_70 = tpu.memref_slice %arg5[%arg0, %add3A_63, %dma_wait3A] : memref<2x10240x128xf32, #tpu.memory_space<hbm>> -> memref<1x64x128xf32, #tpu.memory_space<hbm>>
      %dma_wait3A_71 = tpu.memref_squeeze %dma_wait3A_70 : memref<1x64x128xf32, #tpu.memory_space<hbm>> -> memref<64x128xf32, #tpu.memory_space<hbm>>
      %dma_wait3A_72 = arith.constant 0 : i32
      %dma_wait3A_73 = tpu.memref_slice %arg12[%add3A_63, %dma_wait3A_72] : memref<10240x128xf32, #tpu.memory_space<vmem_shared>> -> memref<64x128xf32, #tpu.memory_space<vmem_shared>>
      tpu.wait_dma2 semaphore(%run_scoped3A : memref<!tpu.dma_semaphore, #tpu.memory_space<semaphore_mem>>) src(%dma_wait3A_73 : memref<64x128xf32, #tpu.memory_space<vmem_shared>>) dst(%dma_wait3A_71 : memref<64x128xf32, #tpu.memory_space<hbm>>)
      tpu.yield
    }) : () -> ()
    %add3A_64 = arith.constant 576 : i32
    %add3A_65 = arith.addi %mul3A_14, %add3A_64 : i32
    "tpu.region"() ({
      %run_scoped3A = tpu.sem_alloc : memref<!tpu.dma_semaphore, #tpu.memory_space<semaphore_mem>>
      %dma_start3A = arith.constant 0 : i32
      %dma_start3A_66 = tpu.memref_slice %arg5[%arg0, %add3A_65, %dma_start3A] : memref<2x10240x128xf32, #tpu.memory_space<hbm>> -> memref<1x64x128xf32, #tpu.memory_space<hbm>>
      %dma_start3A_67 = tpu.memref_squeeze %dma_start3A_66 : memref<1x64x128xf32, #tpu.memory_space<hbm>> -> memref<64x128xf32, #tpu.memory_space<hbm>>
      %dma_start3A_68 = arith.constant 0 : i32
      %dma_start3A_69 = tpu.memref_slice %arg12[%add3A_65, %dma_start3A_68] : memref<10240x128xf32, #tpu.memory_space<vmem_shared>> -> memref<64x128xf32, #tpu.memory_space<vmem_shared>>
      tpu.enqueue_dma source(%dma_start3A_69 : memref<64x128xf32, #tpu.memory_space<vmem_shared>>) target(%dma_start3A_67 : memref<64x128xf32, #tpu.memory_space<hbm>>) target_semaphore(%run_scoped3A : memref<!tpu.dma_semaphore, #tpu.memory_space<semaphore_mem>>)
      %dma_wait3A = arith.constant 0 : i32
      %dma_wait3A_70 = tpu.memref_slice %arg5[%arg0, %add3A_65, %dma_wait3A] : memref<2x10240x128xf32, #tpu.memory_space<hbm>> -> memref<1x64x128xf32, #tpu.memory_space<hbm>>
      %dma_wait3A_71 = tpu.memref_squeeze %dma_wait3A_70 : memref<1x64x128xf32, #tpu.memory_space<hbm>> -> memref<64x128xf32, #tpu.memory_space<hbm>>
      %dma_wait3A_72 = arith.constant 0 : i32
      %dma_wait3A_73 = tpu.memref_slice %arg12[%add3A_65, %dma_wait3A_72] : memref<10240x128xf32, #tpu.memory_space<vmem_shared>> -> memref<64x128xf32, #tpu.memory_space<vmem_shared>>
      tpu.wait_dma2 semaphore(%run_scoped3A : memref<!tpu.dma_semaphore, #tpu.memory_space<semaphore_mem>>) src(%dma_wait3A_73 : memref<64x128xf32, #tpu.memory_space<vmem_shared>>) dst(%dma_wait3A_71 : memref<64x128xf32, #tpu.memory_space<hbm>>)
      tpu.yield
    }) : () -> ()
    "tpu.region"() ({
      %run_scoped3A = tpu.sem_alloc : memref<!tpu.dma_semaphore, #tpu.memory_space<semaphore_mem>>
      %dma_start3A = arith.constant 0 : i32
      %dma_start3A_66 = tpu.memref_slice %arg6[%arg0, %arg1, %dma_start3A] : memref<2x16x10240xf32, #tpu.memory_space<hbm>> -> memref<1x1x10240xf32, #tpu.memory_space<hbm>>
      %dma_start3A_67 = tpu.memref_squeeze %dma_start3A_66 : memref<1x1x10240xf32, #tpu.memory_space<hbm>> -> memref<10240xf32, #tpu.memory_space<hbm>>
      %dma_start3A_68 = arith.constant 0 : i32
      %dma_start3A_69 = tpu.memref_slice %arg6[%arg0, %arg1, %dma_start3A_68] : memref<2x16x10240xf32, #tpu.memory_space<hbm>> -> memref<1x1x10240xf32, #tpu.memory_space<hbm>>
      %dma_start3A_70 = tpu.memref_squeeze %dma_start3A_69 : memref<1x1x10240xf32, #tpu.memory_space<hbm>> -> memref<10240xf32, #tpu.memory_space<hbm>>
      tpu.enqueue_dma source(%arg11 : memref<10240xf32, #tpu.memory_space<vmem>>) target(%dma_start3A_70 : memref<10240xf32, #tpu.memory_space<hbm>>) target_semaphore(%run_scoped3A : memref<!tpu.dma_semaphore, #tpu.memory_space<semaphore_mem>>)
      %dma_wait3A = arith.constant 0 : i32
      %dma_wait3A_71 = tpu.memref_slice %arg6[%arg0, %arg1, %dma_wait3A] : memref<2x16x10240xf32, #tpu.memory_space<hbm>> -> memref<1x1x10240xf32, #tpu.memory_space<hbm>>
      %dma_wait3A_72 = tpu.memref_squeeze %dma_wait3A_71 : memref<1x1x10240xf32, #tpu.memory_space<hbm>> -> memref<10240xf32, #tpu.memory_space<hbm>>
      %dma_wait3A_73 = arith.constant 0 : i32
      %dma_wait3A_74 = tpu.memref_slice %arg6[%arg0, %arg1, %dma_wait3A_73] : memref<2x16x10240xf32, #tpu.memory_space<hbm>> -> memref<1x1x10240xf32, #tpu.memory_space<hbm>>
      %dma_wait3A_75 = tpu.memref_squeeze %dma_wait3A_74 : memref<1x1x10240xf32, #tpu.memory_space<hbm>> -> memref<10240xf32, #tpu.memory_space<hbm>>
      tpu.wait_dma2 semaphore(%run_scoped3A : memref<!tpu.dma_semaphore, #tpu.memory_space<semaphore_mem>>) src(%arg11 : memref<10240xf32, #tpu.memory_space<vmem>>) dst(%dma_wait3A_75 : memref<10240xf32, #tpu.memory_space<hbm>>)
      tpu.yield
    }) : () -> ()
    return
  }
}

module attributes {stable_mosaic.version = 14 : i64} {
  func.func @_pq_body(%arg0: i32, %arg1: memref<512x128xf32, #tpu.memory_space<vmem>>, %arg2: memref<128x128xf32, #tpu.memory_space<vmem>>, %arg3: memref<128x128xf32, #tpu.memory_space<vmem>>, %arg4: memref<2x512x128xf32, #tpu.memory_space<vmem>>) attributes {dimension_semantics = [#tpu.dimension_semantics<arbitrary>], iteration_bounds = array<i64: 20>, scalar_prefetch = 0 : i64, scratch_operands = 0 : i64, tpu.core_type = #tpu.core_type<tc>, window_params = [{transform_indices = @transform_0, window_bounds = array<i64: 512, 128>}, {pipeline_mode = #tpu.pipeline_mode<synchronous>, transform_indices = @transform_1, window_bounds = array<i64: 128, 128>}, {pipeline_mode = #tpu.pipeline_mode<synchronous>, transform_indices = @transform_2, window_bounds = array<i64: 128, 128>}, {transform_indices = @transform_3, window_bounds = array<i64: 2, 512, 128>}]} {
    %get3A = arith.constant 0 : index
    %get3A_0 = arith.constant 0 : index
    %get3A_1 = vector.load %arg1[%get3A, %get3A_0] : memref<512x128xf32, #tpu.memory_space<vmem>>, vector<512x128xf32>
    %get3A_2 = arith.constant 0 : index
    %get3A_3 = arith.constant 0 : index
    %get3A_4 = vector.load %arg2[%get3A_2, %get3A_3] : memref<128x128xf32, #tpu.memory_space<vmem>>, vector<128x128xf32>
    %dot_general3A = arith.constant dense<0.000000e+00> : vector<512x128xf32>
    %dot_general3A_5 = tpu.matmul %get3A_1, %get3A_4, %dot_general3A {dimension_numbers = #tpu.dot_dimension_numbers<[1], [0], [0], [1], [0, 0, 1, 1], [], []>, transpose_lhs_hint = false} : vector<512x128xf32>, vector<128x128xf32>, vector<512x128xf32> -> vector<512x128xf32>
    %swap3A = arith.constant 0 : index
    %swap3A_6 = arith.constant 0 : index
    %swap3A_7 = arith.constant 0 : index
    %swap3A_8 = vector.load %arg4[%swap3A, %swap3A_6, %swap3A_7] : memref<2x512x128xf32, #tpu.memory_space<vmem>>, vector<1x512x128xf32>
    %swap3A_9 = vector.shape_cast %swap3A_8 : vector<1x512x128xf32> to vector<512x128xf32>
    %swap3A_10 = vector.shape_cast %dot_general3A_5 : vector<512x128xf32> to vector<1x512x128xf32>
    tpu.vector_store %arg4[%swap3A, %swap3A_6, %swap3A_7], %swap3A_10 {strides = array<i32>} : memref<2x512x128xf32, #tpu.memory_space<vmem>>, vector<1x512x128xf32>,
    %get3A_11 = arith.constant 0 : index
    %get3A_12 = arith.constant 0 : index
    %get3A_13 = vector.load %arg3[%get3A_11, %get3A_12] : memref<128x128xf32, #tpu.memory_space<vmem>>, vector<128x128xf32>
    %dot_general3A_14 = arith.constant dense<0.000000e+00> : vector<512x128xf32>
    %dot_general3A_15 = tpu.matmul %get3A_1, %get3A_13, %dot_general3A_14 {dimension_numbers = #tpu.dot_dimension_numbers<[1], [0], [0], [1], [0, 0, 1, 1], [], []>, transpose_lhs_hint = false} : vector<512x128xf32>, vector<128x128xf32>, vector<512x128xf32> -> vector<512x128xf32>
    %swap3A_16 = arith.constant 1 : index
    %swap3A_17 = arith.constant 0 : index
    %swap3A_18 = arith.constant 0 : index
    %swap3A_19 = vector.load %arg4[%swap3A_16, %swap3A_17, %swap3A_18] : memref<2x512x128xf32, #tpu.memory_space<vmem>>, vector<1x512x128xf32>
    %swap3A_20 = vector.shape_cast %swap3A_19 : vector<1x512x128xf32> to vector<512x128xf32>
    %swap3A_21 = vector.shape_cast %dot_general3A_15 : vector<512x128xf32> to vector<1x512x128xf32>
    tpu.vector_store %arg4[%swap3A_16, %swap3A_17, %swap3A_18], %swap3A_21 {strides = array<i32>} : memref<2x512x128xf32, #tpu.memory_space<vmem>>, vector<1x512x128xf32>,
    return
  }
  func.func @transform_0(%arg0: i32) -> (i32, i32) {
    %c0_i32 = arith.constant 0 : i32
    %c0_i32_0 = arith.constant 0 : i32
    return %arg0, %c0_i32 : i32, i32
  }
  func.func @transform_1(%arg0: i32) -> (i32, i32) {
    %c0_i32 = arith.constant 0 : i32
    %c0_i32_0 = arith.constant 0 : i32
    %c0_i32_1 = arith.constant 0 : i32
    return %c0_i32, %c0_i32_0 : i32, i32
  }
  func.func @transform_2(%arg0: i32) -> (i32, i32) {
    %c0_i32 = arith.constant 0 : i32
    %c0_i32_0 = arith.constant 0 : i32
    %c0_i32_1 = arith.constant 0 : i32
    return %c0_i32, %c0_i32_0 : i32, i32
  }
  func.func @transform_3(%arg0: i32) -> (i32, i32, i32) {
    %c0_i32 = arith.constant 0 : i32
    %c0_i32_0 = arith.constant 0 : i32
    %c0_i32_1 = arith.constant 0 : i32
    return %c0_i32, %arg0, %c0_i32_0 : i32, i32, i32
  }
}

module attributes {stable_mosaic.version = 14 : i64} {
  func.func @_epre_body(%arg0: i32, %arg1: memref<2048x16xf32, #tpu.memory_space<vmem>>, %arg2: memref<16x128xf32, #tpu.memory_space<vmem>>, %arg3: memref<1x128xf32, #tpu.memory_space<vmem>>, %arg4: memref<2048x128xf32, #tpu.memory_space<vmem>>) attributes {dimension_semantics = [#tpu.dimension_semantics<arbitrary>], iteration_bounds = array<i64: 157>, scalar_prefetch = 0 : i64, scratch_operands = 0 : i64, tpu.core_type = #tpu.core_type<tc>, window_params = [{transform_indices = @transform_0, window_bounds = array<i64: 2048, 16>}, {pipeline_mode = #tpu.pipeline_mode<synchronous>, transform_indices = @transform_1, window_bounds = array<i64: 16, 128>}, {pipeline_mode = #tpu.pipeline_mode<synchronous>, transform_indices = @transform_2, window_bounds = array<i64: 1, 128>}, {transform_indices = @transform_3, window_bounds = array<i64: 2048, 128>}]} {
    %get3A = arith.constant 0 : index
    %get3A_0 = arith.constant 0 : index
    %get3A_1 = vector.load %arg1[%get3A, %get3A_0] : memref<2048x16xf32, #tpu.memory_space<vmem>>, vector<2048x16xf32>
    %get3A_2 = arith.constant 0 : index
    %get3A_3 = arith.constant 0 : index
    %get3A_4 = vector.load %arg2[%get3A_2, %get3A_3] : memref<16x128xf32, #tpu.memory_space<vmem>>, vector<16x128xf32>
    %dot_general3A = arith.constant dense<0.000000e+00> : vector<2048x128xf32>
    %dot_general3A_5 = tpu.matmul %get3A_1, %get3A_4, %dot_general3A {dimension_numbers = #tpu.dot_dimension_numbers<[1], [0], [0], [1], [0, 0, 1, 1], [], []>, transpose_lhs_hint = false} : vector<2048x16xf32>, vector<16x128xf32>, vector<2048x128xf32> -> vector<2048x128xf32>
    %get3A_6 = arith.constant 0 : index
    %get3A_7 = arith.constant 0 : index
    %get3A_8 = vector.load %arg3[%get3A_6, %get3A_7] : memref<1x128xf32, #tpu.memory_space<vmem>>, vector<1x128xf32>
    %add3A = vector.broadcast %get3A_8 : vector<1x128xf32> to vector<2048x128xf32>
    %add3A_9 = arith.addf %dot_general3A_5, %add3A : vector<2048x128xf32>
    %swap3A = arith.constant 0 : index
    %swap3A_10 = arith.constant 0 : index
    %swap3A_11 = vector.load %arg4[%swap3A, %swap3A_10] : memref<2048x128xf32, #tpu.memory_space<vmem>>, vector<2048x128xf32>
    tpu.vector_store %arg4[%swap3A, %swap3A_10], %add3A_9 {strides = array<i32>} : memref<2048x128xf32, #tpu.memory_space<vmem>>, vector<2048x128xf32>,
    return
  }
  func.func @transform_0(%arg0: i32) -> (i32, i32) {
    %c0_i32 = arith.constant 0 : i32
    %c0_i32_0 = arith.constant 0 : i32
    return %arg0, %c0_i32 : i32, i32
  }
  func.func @transform_1(%arg0: i32) -> (i32, i32) {
    %c0_i32 = arith.constant 0 : i32
    %c0_i32_0 = arith.constant 0 : i32
    %c0_i32_1 = arith.constant 0 : i32
    return %c0_i32, %c0_i32_0 : i32, i32
  }
  func.func @transform_2(%arg0: i32) -> (i32, i32) {
    %c0_i32 = arith.constant 0 : i32
    %c0_i32_0 = arith.constant 0 : i32
    %c0_i32_1 = arith.constant 0 : i32
    return %c0_i32, %c0_i32_0 : i32, i32
  }
  func.func @transform_3(%arg0: i32) -> (i32, i32) {
    %c0_i32 = arith.constant 0 : i32
    %c0_i32_0 = arith.constant 0 : i32
    return %arg0, %c0_i32 : i32, i32
  }
}

module attributes {stable_mosaic.version = 14 : i64} {
  func.func @_post_body(%arg0: i32, %arg1: memref<2x512x128xf32, #tpu.memory_space<vmem>>, %arg2: memref<2x16x512xf32, #tpu.memory_space<vmem>>, %arg3: memref<512x128xf32, #tpu.memory_space<vmem>>, %arg4: memref<128x128xf32, #tpu.memory_space<vmem>>, %arg5: memref<1x128xf32, #tpu.memory_space<vmem>>, %arg6: memref<128x128xf32, #tpu.memory_space<vmem>>, %arg7: memref<128x128xf32, #tpu.memory_space<vmem>>, %arg8: memref<1x128xf32, #tpu.memory_space<vmem>>, %arg9: memref<128x128xf32, #tpu.memory_space<vmem>>, %arg10: memref<1x128xf32, #tpu.memory_space<vmem>>, %arg11: memref<512x128xf32, #tpu.memory_space<vmem>>) attributes {dimension_semantics = [#tpu.dimension_semantics<arbitrary>], iteration_bounds = array<i64: 20>, scalar_prefetch = 0 : i64, scratch_operands = 0 : i64, tpu.core_type = #tpu.core_type<tc>, window_params = [{transform_indices = @transform_0, window_bounds = array<i64: 2, 512, 128>}, {transform_indices = @transform_1, window_bounds = array<i64: 2, 16, 512>}, {transform_indices = @transform_2, window_bounds = array<i64: 512, 128>}, {pipeline_mode = #tpu.pipeline_mode<synchronous>, transform_indices = @transform_3, window_bounds = array<i64: 128, 128>}, {pipeline_mode = #tpu.pipeline_mode<synchronous>, transform_indices = @transform_4, window_bounds = array<i64: 1, 128>}, {pipeline_mode = #tpu.pipeline_mode<synchronous>, transform_indices = @transform_5, window_bounds = array<i64: 128, 128>}, {pipeline_mode = #tpu.pipeline_mode<synchronous>, transform_indices = @transform_6, window_bounds = array<i64: 128, 128>}, {pipeline_mode = #tpu.pipeline_mode<synchronous>, transform_indices = @transform_7, window_bounds = array<i64: 1, 128>}, {pipeline_mode = #tpu.pipeline_mode<synchronous>, transform_indices = @transform_8, window_bounds = array<i64: 128, 128>}, {pipeline_mode = #tpu.pipeline_mode<synchronous>, transform_indices = @transform_9, window_bounds = array<i64: 1, 128>}, {transform_indices = @transform_10, window_bounds = array<i64: 512, 128>}]} {
    %get3A = arith.constant 0 : index
    %get3A_0 = arith.constant 0 : index
    %get3A_1 = arith.constant 0 : index
    %get3A_2 = vector.load %arg1[%get3A, %get3A_0, %get3A_1] : memref<2x512x128xf32, #tpu.memory_space<vmem>>, vector<1x512x128xf32>
    %get3A_3 = vector.shape_cast %get3A_2 : vector<1x512x128xf32> to vector<512x128xf32>
    %get3A_4 = arith.constant 1 : index
    %get3A_5 = arith.constant 0 : index
    %get3A_6 = arith.constant 0 : index
    %get3A_7 = vector.load %arg1[%get3A_4, %get3A_5, %get3A_6] : memref<2x512x128xf32, #tpu.memory_space<vmem>>, vector<1x512x128xf32>
    %get3A_8 = vector.shape_cast %get3A_7 : vector<1x512x128xf32> to vector<512x128xf32>
    %add3A = arith.addf %get3A_3, %get3A_8 : vector<512x128xf32>
    %get3A_9 = arith.constant 0 : index
    %get3A_10 = arith.constant 0 : index
    %get3A_11 = arith.constant 0 : index
    %get3A_12 = vector.load %arg2[%get3A_9, %get3A_10, %get3A_11] : memref<2x16x512xf32, #tpu.memory_space<vmem>>, vector<2x16x512xf32>
    %reduce_sum3A = arith.constant dense<0.000000e+00> : vector<512xf32>
    %reduce_sum3A_13 = vector.multi_reduction <add>, %get3A_12, %reduce_sum3A [0, 1] : vector<2x16x512xf32> to vector<512xf32>
    %get3A_14 = arith.constant 0 : index
    %get3A_15 = arith.constant 0 : index
    %get3A_16 = vector.load %arg4[%get3A_14, %get3A_15] : memref<128x128xf32, #tpu.memory_space<vmem>>, vector<128x128xf32>
    %dot_general3A = arith.constant dense<0.000000e+00> : vector<512x128xf32>
    %dot_general3A_17 = tpu.matmul %add3A, %get3A_16, %dot_general3A {dimension_numbers = #tpu.dot_dimension_numbers<[1], [0], [0], [1], [0, 0, 1, 1], [], []>, transpose_lhs_hint = false} : vector<512x128xf32>, vector<128x128xf32>, vector<512x128xf32> -> vector<512x128xf32>
    %broadcast_in_dim3A = vector.shape_cast %reduce_sum3A_13 : vector<512xf32> to vector<512x1xf32>
    %get3A_18 = arith.constant 0 : index
    %get3A_19 = arith.constant 0 : index
    %get3A_20 = vector.load %arg5[%get3A_18, %get3A_19] : memref<1x128xf32, #tpu.memory_space<vmem>>, vector<1x128xf32>
    %mul3A = vector.broadcast %broadcast_in_dim3A : vector<512x1xf32> to vector<512x128xf32>
    %mul3A_21 = vector.broadcast %get3A_20 : vector<1x128xf32> to vector<512x128xf32>
    %mul3A_22 = arith.mulf %mul3A, %mul3A_21 : vector<512x128xf32>
    %add3A_23 = arith.addf %dot_general3A_17, %mul3A_22 : vector<512x128xf32>
    %get3A_24 = arith.constant 0 : index
    %get3A_25 = arith.constant 0 : index
    %get3A_26 = vector.load %arg3[%get3A_24, %get3A_25] : memref<512x128xf32, #tpu.memory_space<vmem>>, vector<512x128xf32>
    %get3A_27 = arith.constant 0 : index
    %get3A_28 = arith.constant 0 : index
    %get3A_29 = vector.load %arg6[%get3A_27, %get3A_28] : memref<128x128xf32, #tpu.memory_space<vmem>>, vector<128x128xf32>
    %dot_general3A_30 = arith.constant dense<0.000000e+00> : vector<512x128xf32>
    %dot_general3A_31 = tpu.matmul %get3A_26, %get3A_29, %dot_general3A_30 {dimension_numbers = #tpu.dot_dimension_numbers<[1], [0], [0], [1], [0, 0, 1, 1], [], []>, transpose_lhs_hint = false} : vector<512x128xf32>, vector<128x128xf32>, vector<512x128xf32> -> vector<512x128xf32>
    %get3A_32 = arith.constant 0 : index
    %get3A_33 = arith.constant 0 : index
    %get3A_34 = vector.load %arg7[%get3A_32, %get3A_33] : memref<128x128xf32, #tpu.memory_space<vmem>>, vector<128x128xf32>
    %dot_general3A_35 = arith.constant dense<0.000000e+00> : vector<512x128xf32>
    %dot_general3A_36 = tpu.matmul %add3A_23, %get3A_34, %dot_general3A_35 {dimension_numbers = #tpu.dot_dimension_numbers<[1], [0], [0], [1], [0, 0, 1, 1], [], []>, transpose_lhs_hint = false} : vector<512x128xf32>, vector<128x128xf32>, vector<512x128xf32> -> vector<512x128xf32>
    %add3A_37 = arith.addf %dot_general3A_31, %dot_general3A_36 : vector<512x128xf32>
    %get3A_38 = arith.constant 0 : index
    %get3A_39 = arith.constant 0 : index
    %get3A_40 = vector.load %arg8[%get3A_38, %get3A_39] : memref<1x128xf32, #tpu.memory_space<vmem>>, vector<1x128xf32>
    %add3A_41 = vector.broadcast %get3A_40 : vector<1x128xf32> to vector<512x128xf32>
    %add3A_42 = arith.addf %add3A_37, %add3A_41 : vector<512x128xf32>
    %integer_pow3A = arith.mulf %add3A_42, %add3A_42 : vector<512x128xf32>
    %integer_pow3A_43 = arith.mulf %add3A_42, %integer_pow3A : vector<512x128xf32>
    %mul3A_44 = arith.constant 4.471500e-02 : f32
    %mul3A_45 = vector.broadcast %mul3A_44 : f32 to vector<512x128xf32>
    %mul3A_46 = arith.mulf %mul3A_45, %integer_pow3A_43 : vector<512x128xf32>
    %add3A_47 = arith.addf %add3A_42, %mul3A_46 : vector<512x128xf32>
    %mul3A_48 = arith.constant 0.797884583 : f32
    %mul3A_49 = vector.broadcast %mul3A_48 : f32 to vector<512x128xf32>
    %mul3A_50 = arith.mulf %mul3A_49, %add3A_47 : vector<512x128xf32>
    %tanh3A = math.tanh %mul3A_50 : vector<512x128xf32>
    %add3A_51 = arith.constant 1.000000e+00 : f32
    %add3A_52 = vector.broadcast %add3A_51 : f32 to vector<512x128xf32>
    %add3A_53 = arith.addf %add3A_52, %tanh3A : vector<512x128xf32>
    %mul3A_54 = arith.constant 5.000000e-01 : f32
    %mul3A_55 = vector.broadcast %mul3A_54 : f32 to vector<512x128xf32>
    %mul3A_56 = arith.mulf %mul3A_55, %add3A_53 : vector<512x128xf32>
    %mul3A_57 = arith.mulf %add3A_42, %mul3A_56 : vector<512x128xf32>
    %get3A_58 = arith.constant 0 : index
    %get3A_59 = arith.constant 0 : index
    %get3A_60 = vector.load %arg9[%get3A_58, %get3A_59] : memref<128x128xf32, #tpu.memory_space<vmem>>, vector<128x128xf32>
    %dot_general3A_61 = arith.constant dense<0.000000e+00> : vector<512x128xf32>
    %dot_general3A_62 = tpu.matmul %mul3A_57, %get3A_60, %dot_general3A_61 {dimension_numbers = #tpu.dot_dimension_numbers<[1], [0], [0], [1], [0, 0, 1, 1], [], []>, transpose_lhs_hint = false} : vector<512x128xf32>, vector<128x128xf32>, vector<512x128xf32> -> vector<512x128xf32>
    %get3A_63 = arith.constant 0 : index
    %get3A_64 = arith.constant 0 : index
    %get3A_65 = vector.load %arg10[%get3A_63, %get3A_64] : memref<1x128xf32, #tpu.memory_space<vmem>>, vector<1x128xf32>
    %add3A_66 = vector.broadcast %get3A_65 : vector<1x128xf32> to vector<512x128xf32>
    %add3A_67 = arith.addf %dot_general3A_62, %add3A_66 : vector<512x128xf32>
    %swap3A = arith.constant 0 : index
    %swap3A_68 = arith.constant 0 : index
    %swap3A_69 = vector.load %arg11[%swap3A, %swap3A_68] : memref<512x128xf32, #tpu.memory_space<vmem>>, vector<512x128xf32>
    tpu.vector_store %arg11[%swap3A, %swap3A_68], %add3A_67 {strides = array<i32>} : memref<512x128xf32, #tpu.memory_space<vmem>>, vector<512x128xf32>,
    return
  }
  func.func @transform_0(%arg0: i32) -> (i32, i32, i32) {
    %c0_i32 = arith.constant 0 : i32
    %c0_i32_0 = arith.constant 0 : i32
    %c0_i32_1 = arith.constant 0 : i32
    return %c0_i32, %arg0, %c0_i32_0 : i32, i32, i32
  }
  func.func @transform_1(%arg0: i32) -> (i32, i32, i32) {
    %c0_i32 = arith.constant 0 : i32
    %c0_i32_0 = arith.constant 0 : i32
    %c0_i32_1 = arith.constant 0 : i32
    return %c0_i32, %c0_i32_0, %arg0 : i32, i32, i32
  }
  func.func @transform_2(%arg0: i32) -> (i32, i32) {
    %c0_i32 = arith.constant 0 : i32
    %c0_i32_0 = arith.constant 0 : i32
    return %arg0, %c0_i32 : i32, i32
  }
  func.func @transform_3(%arg0: i32) -> (i32, i32) {
    %c0_i32 = arith.constant 0 : i32
    %c0_i32_0 = arith.constant 0 : i32
    %c0_i32_1 = arith.constant 0 : i32
    return %c0_i32, %c0_i32_0 : i32, i32
  }
  func.func @transform_4(%arg0: i32) -> (i32, i32) {
    %c0_i32 = arith.constant 0 : i32
    %c0_i32_0 = arith.constant 0 : i32
    %c0_i32_1 = arith.constant 0 : i32
    return %c0_i32, %c0_i32_0 : i32, i32
  }
  func.func @transform_5(%arg0: i32) -> (i32, i32) {
    %c0_i32 = arith.constant 0 : i32
    %c0_i32_0 = arith.constant 0 : i32
    %c0_i32_1 = arith.constant 0 : i32
    return %c0_i32, %c0_i32_0 : i32, i32
  }
  func.func @transform_6(%arg0: i32) -> (i32, i32) {
    %c0_i32 = arith.constant 0 : i32
    %c0_i32_0 = arith.constant 0 : i32
    %c0_i32_1 = arith.constant 0 : i32
    return %c0_i32, %c0_i32_0 : i32, i32
  }
  func.func @transform_7(%arg0: i32) -> (i32, i32) {
    %c0_i32 = arith.constant 0 : i32
    %c0_i32_0 = arith.constant 0 : i32
    %c0_i32_1 = arith.constant 0 : i32
    return %c0_i32, %c0_i32_0 : i32, i32
  }
  func.func @transform_8(%arg0: i32) -> (i32, i32) {
    %c0_i32 = arith.constant 0 : i32
    %c0_i32_0 = arith.constant 0 : i32
    %c0_i32_1 = arith.constant 0 : i32
    return %c0_i32, %c0_i32_0 : i32, i32
  }
  func.func @transform_9(%arg0: i32) -> (i32, i32) {
    %c0_i32 = arith.constant 0 : i32
    %c0_i32_0 = arith.constant 0 : i32
    %c0_i32_1 = arith.constant 0 : i32
    return %c0_i32, %c0_i32_0 : i32, i32
  }
  func.func @transform_10(%arg0: i32) -> (i32, i32) {
    %c0_i32 = arith.constant 0 : i32
    %c0_i32_0 = arith.constant 0 : i32
    return %arg0, %c0_i32 : i32, i32
  }
}

</mosaic_0001>

<sc_bundles>
// kernel: kernel.6.cloned.1.call-start
scs
__scs_entry_jumppad:
0x0: {  	(pc) =	sbr.rel $0x88, $3  }
0x1: {  	(tag) =	ssettag $0x0;
	lr =	simm.s32 $0x1  }
0x2: {  	[smem:$0x3F96] =	sst lr;
	_ =	strace $0xD0000000  }
0x3: {  	_ = 	snop  }
0x4: {  	_ = 	snop  }
0x5: {  	_ = 	snop  }
0x6: {  	_ = 	snop  }
0x7: {  	_ = 	snop  }
__scs_overlays_trampoline_lowered:
0x8: {  	[smem:$0x3FA5] =	sst s0  }
0x9: {  	[smem:$0x3FA6] =	sst s1  }
0xa: {  	[smem:$0x3FA7] =	sst s2  }
0xb: {  	[smem:$0x3FA8] =	sst s3  }
0xc: {  	[smem:$0x3FA9] =	sst s4  }
0xd: {  	[smem:$0x3FAA] =	sst s5  }
0xe: {  	[smem:$0x3FAB] =	sst s6  }
0xf: {  	[smem:$0x3FAC] =	sst s7  }
0x10: {  	[smem:$0x3FAD] =	sst s8  }
0x11: {  	[smem:$0x3FAE] =	sst s9;
	s0 =	simm.s32 @!p0 $0x0  }
0x12: {  	s1 =	sld [smem:$0x3F94];
	s0 =	simm.s32 @p0 $0x1  }
0x13: {  	[smem:$0x3FAF] =	sst s0;
	s0 =	simm.s32 @!p1 $0x0  }
0x14: {  	s2 =	sld [smem:$0x3F93];
	s0 =	simm.s32 @p1 $0x1  }
0x15: {  	[smem:$0x3FB0] =	sst s0;
	s0 =	simm.s32 @!p2 $0x0  }
0x16: {  	s3 =	sld [smem:$0x3FDB];
	s0 =	simm.s32 @p2 $0x1  }
0x17: {  	s4 =	simm.s32 $0x1BF5;
	[smem:$0x3FB2] =	sst s0  }
0x18: {  	s0 =	sld [smem:$0x3F95];
	_ =	swait.ge [sflag:s4], $0x0  }
0x19: {  	s7 =	sld [smem:$0x3F96]  }
0x1a: {  	s8 =	sadd.s32 $0xFFFFE003, lr  }
0x1b: {  	s9 =	sadd.s32 $0xFFFFFEF7, lr;
	s5 =	simm.s32 $0xFFFFFFFF;
	p2 =	slt.u32 s8, $0xFFFFF086  }
0x1c: {  	p1 =	slt.u32 s9, $0xF7A;
	s5 =	simm.s32 @!p2 $0x0  }
0x1d: {  	s5 =	simm.s32 @p1 $0x1;
	p0 =	seq.s32 s7, s2  }
0x1e: {  	s7 =	smul.u32 @!p0 $0xF7A, s2;
	p2 =	seq.s32 @!p0 s5, $0x0  }
0x1f: {  	s9 =	smul.u32 $0xF7A, s1;
	s8 =	simm.s32 @!p0 $0x1BF5;
	p2 =	por !p2, p0  }
0x20: {  	[sflag:s8] =	ssyncset.s32 @!p0 $0xFFFFF086;
	s6 =	sadd.s32 @!p0 s3, s7;
	s7 =	simm.s32 @!p0 $0x108  }
0x21: {  	s3 =	sadd.s32 s3, s9;
	s6 =	sadd.s32 @!p0 $0x88, s6;
	s7 =	simm.s32 @p2 $0x1082  }
0x22: {  	[simem:s7], [sflag:s8] =	dma.local @!p0 [hbm:s6], $0xF7A  }
0x23: {  	s9 =	sor.u32 $0xD0000000, s2;
	s6 =	simm.s32 $0x108;
	_ =	swait.ge @!p0 [sflag:s8], $0x0  }
0x24: {  	s3 =	sadd.s32 $0x88, s3;
	s6 =	simm.s32 @!p1 $0x1082;
	[sflag:s4] =	ssyncset.s32 $0xFFFFF086  }
0x25: {  	[simem:s6], [sflag:s4] =	dma.local [hbm:s3], $0xF7A  }
0x26: {  	[smem:$0x3F96] =	sst s1;
	(tag) =	ssettag s2;
	_ =	strace s9  }
0x27: {  	s1 =	sld [smem:$0x3FA6]  }
0x28: {  	s2 =	sld [smem:$0x3FA7]  }
0x29: {  	s4 =	sld [smem:$0x3FA9]  }
0x2a: {  	p0 =	seq.s32 s5, $0x0;
	s5 =	sld [smem:$0x3FAA]  }
0x2b: {  	s6 =	sld [smem:$0x3FAB]  }
0x2c: {  	s7 =	sld [smem:$0x3FAC]  }
0x2d: {  	s3 =	simm.s32 $0x108;
	s8 =	sld [smem:$0x3FAD]  }
0x2e: {  	s3 =	simm.s32 @!p0 $0x1082;
	s9 =	sld [smem:$0x3FAE]  }
0x2f: {  	lr =	sadd.s32 s0, s3;
	s0 =	sld [smem:$0x3FA5]  }
0x30: {  	s3 =	sld [smem:$0x3FA8]  }
0x31: {  	[smem:$0x3FB1] =	sst s10  }
0x32: {  	s10 =	sld [smem:$0x3FAF];
	_ =	sdelay $0x3  }
0x33: {  	p0 =	seq.s32 s10, $0x1;
	s10 =	sld [smem:$0x3FB1];
	_ =	sdelay $0x3  }
0x34: {  	[smem:$0x3FB1] =	sst s10  }
0x35: {  	s10 =	sld [smem:$0x3FB0];
	_ =	sdelay $0x3  }
0x36: {  	p1 =	seq.s32 s10, $0x1;
	s10 =	sld [smem:$0x3FB1];
	_ =	sdelay $0x3  }
0x37: {  	[smem:$0x3FB1] =	sst s10  }
0x38: {  	s10 =	sld [smem:$0x3FB2]  }
0x39: {  	_ = 	snop;
	(pc) =	sbr.ind lr, $3  }
0x3a: {  	_ = 	snop  }
0x3b: {  	_ = 	snop  }
0x3c: {  	p2 =	seq.s32 s10, $0x1;
	s10 =	sld [smem:$0x3FB1]  }
0x3d: {  	_ =	shalt  }
0x3e: {  	_ =	shalt  }
0x3f: {  	_ =	shalt  }
0x40: {  	_ =	shalt  }
0x41: {  	_ =	shalt  }
0x42: {  	_ =	shalt  }
0x43: {  	_ =	shalt  }
0x44: {  	_ =	shalt  }
0x45: {  	_ =	shalt  }
0x46: {  	_ =	shalt  }
0x47: {  	_ =	shalt  }
0x48: {  	_ =	shalt  }
0x49: {  	_ =	shalt  }
0x4a: {  	_ =	shalt  }
0x4b: {  	_ =	shalt  }
0x4c: {  	_ =	shalt  }
0x4d: {  	_ =	shalt  }
0x4e: {  	_ =	shalt  }
0x4f: {  	_ =	shalt  }
0x50: {  	_ =	shalt  }
0x51: {  	_ =	shalt  }
0x52: {  	_ =	shalt  }
0x53: {  	_ =	shalt  }
0x54: {  	_ =	shalt  }
0x55: {  	_ =	shalt  }
0x56: {  	_ =	shalt  }
0x57: {  	_ =	shalt  }
0x58: {  	_ =	shalt  }
0x59: {  	_ =	shalt  }
0x5a: {  	_ =	shalt  }
0x5b: {  	_ =	shalt  }
0x5c: {  	_ =	shalt  }
0x5d: {  	_ =	shalt  }
0x5e: {  	_ =	shalt  }
0x5f: {  	_ =	shalt  }
0x60: {  	_ =	shalt  }
0x61: {  	_ =	shalt  }
0x62: {  	_ =	shalt  }
0x63: {  	_ =	shalt  }
0x64: {  	_ =	shalt  }
0x65: {  	_ =	shalt  }
0x66: {  	_ =	shalt  }
0x67: {  	_ =	shalt  }
0x68: {  	_ =	shalt  }
0x69: {  	_ =	shalt  }
0x6a: {  	_ =	shalt  }
0x6b: {  	_ =	shalt  }
0x6c: {  	_ =	shalt  }
0x6d: {  	_ =	shalt  }
0x6e: {  	_ =	shalt  }
0x6f: {  	_ =	shalt  }
0x70: {  	_ =	shalt  }
0x71: {  	_ =	shalt  }
0x72: {  	_ =	shalt  }
0x73: {  	_ =	shalt  }
0x74: {  	_ =	shalt  }
0x75: {  	_ =	shalt  }
0x76: {  	_ =	shalt  }
0x77: {  	_ =	shalt  }
0x78: {  	_ =	shalt  }
0x79: {  	_ =	shalt  }
0x7a: {  	_ =	shalt  }
0x7b: {  	_ =	shalt  }
0x7c: {  	_ =	shalt  }
0x7d: {  	_ =	shalt  }
0x7e: {  	_ =	shalt  }
0x7f: {  	_ =	shalt  }
0x80: {  	_ =	shalt  }
0x81: {  	_ =	shalt  }
0x82: {  	_ =	shalt  }
0x83: {  	_ =	shalt  }
0x84: {  	_ =	shalt  }
0x85: {  	_ =	shalt  }
0x86: {  	_ =	shalt  }
0x87: {  	_ =	shalt  }
.Lfunc_end0:
.L_simem_size_0:
called_computation_lowered:
.L_overlay_start_0:
0x88: {  	s2 =	sld [smem:$0x3FD9]  }
0x89: {  	s3 =	sld [smem:$0x3FFE];
	_ =	sdelay $0x1  }
0x8a: {  	s1 =	srdreg.scid  }
0x8b: {  	s0 =	sand.u32 $0x1, s1  }
0x8c: {  	s17 =	sshll.u32 s0, $0xA;
	s2 =	sadd.s32 s3, s2  }
0x8d: {  	s2 =	sadd.s32 s2, s17  }
0x8e: {  	[smem:$0x3FBD] =	sst s2  }
0x8f: {  	_ = 	snop  }
0x90: {  	s2 =	sld [smem:$0x3FD0];
	(tm) =	ssettm $0x1  }
0x91: {  	s18 =	sld [smem:$0x3FFB];
	_ =	sdelay $0x3  }
0x92: {  	_ =	strace s18  }
0x93: {  	s3 =	sld [smem:$0x3FFC];
	_ =	sdelay $0x3  }
0x94: {  	_ =	strace s3  }
0x95: {  	s3 =	sld [smem:$0x3FFD];
	_ =	sdelay $0x3  }
0x96: {  	_ =	strace s3  }
0x97: {  	_ =	strace $0x8FFFFFFF  }
0x98: {  	s19 =	sld [smem:$0x3FDB];
	_ =	sdelay $0x1  }
0x99: {  	s4 =	simm.s32 $_scs_section_size  }
0x9a: {  	s5 =	simm.s32 $_size__tile_overlayer_lowered;
	s6 =	simm.s32 $_tile_overlayer_lowered  }
0x9b: {  	s22 =	simm.s32 $0x1BFF;
	s21 =	sshll.u32 s6, $0x1;
	s3 =	sadd.s32 s4, s19  }
0x9c: {  	s7 =	simm.s32 $0x0;
	s20 =	sshll.u32 s5, $0x1;
	s5 =	sadd.s32 s21, s3  }
0x9d: {  	[timem:s7], [sflag:s22] =	dma.local [hbm:s5], s20  }
0x9e: {  	_ =	swait.ge [sflag:s22], s20  }
0x9f: {  	s4 =	ssub.s32 $0x0, s20;
	[sflag:s22] =	ssyncset.done $0x0  }
0xa0: {  	[sflag:s22] =	ssyncadd.s32 s4;
	_ =	sdelay $0x1  }
0xa1: {  	s23 =	simm.s32 $0x1B8B  }
0xa2: {  	_ =	swait.ge [sflag:s23], $0x1  }
0xa3: {  	[sflag:s23] =	ssyncset.done $0x0  }
0xa4: {  	s25 =	simm.s32 $0x1B8E;
	s24 =	sld [smem:$0x3FFE];
	[sflag:s23] =	ssyncadd.s32 $0xFFFFFFFF  }
0xa5: {  	s26 =	simm.s32 $execute0_lowered;
	[smem:$0x3FD2] =	sst s25  }
0xa6: {  	s5 =	sshll.u32 s26, $0x1;
	_ =	strace $0x80000046;
	[dreg:$0x1] =	wrdreg $0xFFFFFFFF  }
0xa7: {  	s28 =	simm.s32 $_size_execute0_lowered;
	s3 =	sadd.s32 s3, s5;
	[dreg:$0x0] =	wrdreg $0x0  }
0xa8: {  	s5 =	sshll.u32 s28, $0x1;
	[dreg:$0x2] =	wrdreg s3  }
0xa9: {  	[dreg:$0x3] =	wrdreg s5  }
0xaa: {  	[dreg:$0x4] =	wrdreg $0xC0  }
0xab: {  	_ =	task [dreg:s7], $0x5FFFF  }
0xac: {  	[dreg:$0x1] =	wrdreg $0xFFFFFFFF  }
0xad: {  	[dreg:$0x0] =	wrdreg $0x60  }
0xae: {  	[dreg:$0x2] =	wrdreg s24  }
0xaf: {  	[dreg:$0x3] =	wrdreg s2  }
0xb0: {  	[dreg:$0x4] =	wrdreg $0x89000  }
0xb1: {  	[dreg:$0x5] =	wrdreg $0x9  }
0xb2: {  	_ =	task.clear_ibuf [dreg:s7], $0x6FFFF;
	_ =	strace $0x90000046  }
0xb3: {  	s29 =	simm.s32 $0x9;
	_ =	strace $0x80000048  }
0xb4: {  	_ =	swait.ge [sflag:s29], $0x1  }
0xb5: {  	[sflag:s29] =	ssyncadd.s32 $0xFFFFFFFF  }
0xb6: {  	_ =	strace $0x90000048  }
0xb7: {  	_ =	sfence  }
0xb8: {  	s30 =	sld [smem:$0x0];
	_ =	sdelay $0x2  }
0xb9: {  	s31 =	sshll.u32 s1, $0xD;
	s1 =	sshrl.u32 s1, $0x2  }
0xba: {  	s3 =	sand.u32 $0x4000, s31;
	s1 =	sadd.s32 s1, s30  }
0xbb: {  	s0 =	sor.u32 s3, s0;
	s1 =	sshll.u32 s1, $0x11  }
0xbc: {  	s0 =	sor.u32 s1, s0  }
0xbd: {  	s0 =	sadd.s32 $0x8F2B, s0  }
0xbe: {  	[sflag:s0] =	ssyncadd.remote.s32 $0x1  }
0xbf: {  	_ =	sfence.sel $0xFFFF  }
0xc0: {  	[dreg:$0x0] =	wrdreg $0xFFFFFFFF;
	(pc) =	sbr.abs _section_cstart, $3  }
0xc1: {  	[dreg:$0x1] =	wrdreg $0xFFFFFFFF  }
0xc2: {  	_ =	task.clear_ibuf [dreg:s7], $0x2FFFF;
	_ =	strace $0x9FFFFFFF  }
0xc3: {  	(tm) =	ssettm $0x7FFFFFFF  }
tec
execute0_lowered:
.L_overlay_start_1:
0x0: {  	(tag) =	ssettag $0x1  }
0x1: {  	s0 =	srdreg.scid;
	s14 =	stileid.u32;
	s1 =	simm.s32 $0x0  }
0x2: {  	s31 =	simm.s32 $0x4100;
	s3 =	sand.u32 $0x1, s0;
	s0 =	rddreg [dreg:$0x0]  }
0x3: {  	s4 =	sshrl.u32 s14, $0x3;
	[smem:$0x7FF] =	sst s1;
	s9 =	smul.u32 $0x14000, s14  }
0x4: {  	s6 =	sshll.u32 s14, $0x7;
	s8 =	sshll.u32 s14, $0x1;
	s2 =	smul.u32 $0x28000, s3  }
0x5: {  	s4 =	smul.u32 $0x14000, s4;
	s5 =	sadd.s32 $0x53E00, s0;
	s13 =	sand.u32 $0x380, s6  }
0x6: {  	s15 =	ssub.s32 $0x2, s3;
	s6 =	sor.u32 s3, s8;
	s3 =	smul.u32 $0x140000, s3  }
0x7: {  	s7 =	sshrl.u32 s15, $0x1;
	s8 =	sadd.s32 $0x4000, s9;
	s10 =	sadd.s32 $0x6000, s9  }
0x8: {  	s11 =	sadd.s32 $0x8000, s9;
	s22 =	sadd.s32 $0xA000, s9;
	s23 =	sadd.s32 $0xC000, s9  }
0x9: {  	s24 =	sadd.s32 $0xE000, s9;
	s25 =	sadd.s32 $0x10000, s9;
	s26 =	sadd.s32 $0x12000, s9  }
0xa: {  	s28 =	smul.u32 $0x9D, s6;
	s6 =	simm.s32 $0x0;
	s2 =	sadd.s32 s2, s4  }
0xb: {  	s18 =	sadd.s32 s3, s10;
	s19 =	sadd.s32 s3, s11;
	s20 =	sadd.s32 s3, s22  }
0xc: {  	s4 =	sor.u32 s13, s2;
	s2 =	ssub.s32 s15, s7;
	s7 =	sor.u32 $0x2000, s9  }
0xd: {  	s9 =	sadd.s32 s9, s3;
	s13 =	sadd.s32 s3, s8;
	s15 =	sadd.s32 s3, s24  }
0xe: {  	s12 =	sadd.s32 s3, s7;
	s9 =	sshrl.u32 s9, $0x3;
	s17 =	sshrl.u32 s13, $0x3  }
0xf: {  	s13 =	sadd.s32 s3, s23;
	s12 =	sshrl.u32 s12, $0x3;
	s9 =	sadd.s32 s5, s9  }
0x10: {  	s30 =	smax.u32 s2, $0x1;
	[dreg:$0x4] =	wrdreg s9;
	s16 =	sadd.s32 s5, s12  }
0x11: {  	s2 =	simm.s32 $0x100;
	s9 =	sadd.s32 s5, s17;
	[dreg:$0x5] =	wrdreg s16  }
0x12: {  	s12 =	sshrl.u32 s19, $0x3;
	s19 =	smul.u32 $0x50000, s14;
	[dreg:$0x6] =	wrdreg s9  }
0x13: {  	s9 =	sshrl.u32 s18, $0x3;
	s21 =	sadd.s32 s5, s12;
	s12 =	sshrl.u32 s20, $0x3  }
0x14: {  	s16 =	sadd.s32 s3, s25;
	s3 =	sadd.s32 s3, s26;
	s20 =	sshrl.u32 s4, $0x3  }
0x15: {  	s4 =	simm.s32 $0x6100;
	s9 =	sadd.s32 s5, s9;
	[dreg:$0x8] =	wrdreg s21  }
0x16: {  	s18 =	sshrl.u32 s16, $0x3;
	s3 =	sshrl.u32 s3, $0x3;
	s21 =	sshrl.u32 s19, $0x2  }
0x17: {  	s16 =	sadd.s32 $0x9F5E00, s0;
	[dreg:$0x7] =	wrdreg s9;
	s9 =	sadd.s32 s5, s12  }
0x18: {  	s12 =	sshrl.u32 s15, $0x3;
	s14 =	sadd.s32 s5, s3;
	s3 =	sadd.s32 s20, s0  }
0x19: {  	s15 =	sadd.s32 $0x3E00, s0;
	s0 =	simm.s32 $0x80;
	[dreg:$0x9] =	wrdreg s9  }
0x1a: {  	s9 =	sshrl.u32 s13, $0x3;
	s17 =	sadd.s32 s5, s12;
	s12 =	rddreg [dreg:$0x1]  }
0x1b: {  	s13 =	rddreg [dreg:$0x2];
	s29 =	sadd.s32 $0xA3E00, s3;
	s3 =	simm.s32 $0x1  }
0x1c: {  	s9 =	sadd.s32 s5, s9;
	[dreg:$0xb] =	wrdreg s17;
	s17 =	sadd.s32 s21, s13  }
0x1d: {  	s19 =	sadd.s32 s8, s13;
	s20 =	sadd.s32 s10, s13;
	s21 =	sadd.s32 s11, s13  }
0x1e: {  	s22 =	sadd.s32 s22, s13;
	s23 =	sadd.s32 s23, s13;
	s24 =	sadd.s32 s24, s13  }
0x1f: {  	s25 =	sadd.s32 s25, s13;
	[dreg:$0xa] =	wrdreg s9;
	s9 =	sadd.s32 s5, s18  }
0x20: {  	s26 =	sadd.s32 s26, s13;
	s11 =	simm.s32 $0x2;
	[dreg:$0xc] =	wrdreg s9  }
0x21: {  	v0 =	vimm.f32 $0.0e+00;
	v1 =	vimm.f32 $1.000000000e+00;
	s18 =	sadd.s32 s7, s13;
	s5 =	simm.s32 $0x40;
	_ =	strace $0x80000047  }
.LBB2_1:
0x22: {  	s7 =	simm.s32 $0x0  }
.LBB2_2:
0x23: {  	p0 =	sne.s32 s7, $0x9FC0  }
.Ltmp0:
0x24: {  	_ = 	snop;
	(pc) =	sbr.rel @p0 .LBB2_2-.Ltmp0, $3  }
0x25: {  	_ =	sdelay $0x1  }
0x26: {  	s8 =	sshra.s32 s7, $0x2  }
0x27: {  	s7 =	sadd.s32 $0x40, s7;
	[tilespmem:s8+$0x6100] =	vst v0  }
0x28: {  	s7 =	simm.s32 $0x0;
	s8 =	simm.s32 $0x200  }
.LBB2_4:
0x29: {  	p0 =	sne.s32 s8, $0x7E00;
	[tilespmem:s7+$0x4170] =	vst v0  }
0x2a: {  	[tilespmem:s7+$0x4100] =	vst v0  }
0x2b: {  	[tilespmem:s7+$0x4110] =	vst v0  }
.Ltmp1:
0x2c: {  	[tilespmem:s7+$0x4120] =	vst v0;
	(pc) =	sbr.rel @p0 .LBB2_4-.Ltmp1, $4  }
0x2d: {  	[tilespmem:s7+$0x4130] =	vst v0  }
0x2e: {  	[tilespmem:s7+$0x4140] =	vst v0  }
0x2f: {  	[tilespmem:s7+$0x4150] =	vst v0  }
0x30: {  	[tilespmem:s7+$0x4160] =	vst v0;
	s7 =	sshra.s32 s8, $0x2;
	s8 =	sadd.s32 $0x200, s8  }
0x31: {  	[tilespmem:s7+$0x4170] =	vst v0  }
0x32: {  	[tilespmem:s7+$0x4100] =	vst v0  }
0x33: {  	[tilespmem:s7+$0x4110] =	vst v0  }
0x34: {  	[tilespmem:s7+$0x4120] =	vst v0  }
0x35: {  	[tilespmem:s7+$0x4130] =	vst v0  }
0x36: {  	[tilespmem:s7+$0x4140] =	vst v0  }
0x37: {  	[tilespmem:s7+$0x4150] =	vst v0  }
0x38: {  	[tilespmem:s7+$0x4160] =	vst v0  }
0x39: {  	[spmem:s17] =	stream.linear.scatter [tilespmem:s31], [sflag:$0x2], $0x2000, $0x38;
	[tilespmem:$0x1C900] =	vst v63  }
0x3a: {  	_ =	swait.ge [sflag:s11], $0x2000  }
0x3b: {  	[sflag:s11] =	ssyncset.done $0x0  }
0x3c: {  	[sflag:s11] =	ssyncadd.s32 $0xFFFFE000  }
0x3d: {  	[spmem:s18] =	stream.linear.scatter [tilespmem:s31], [sflag:$0x2], $0x2000, $0x38;
	[tilespmem:$0x1C900] =	vst v63  }
0x3e: {  	_ =	swait.ge [sflag:s11], $0x2000  }
0x3f: {  	[sflag:s11] =	ssyncset.done $0x0  }
0x40: {  	[sflag:s11] =	ssyncadd.s32 $0xFFFFE000  }
0x41: {  	[spmem:s19] =	stream.linear.scatter [tilespmem:s31], [sflag:$0x2], $0x2000, $0x38;
	[tilespmem:$0x1C900] =	vst v63  }
0x42: {  	_ =	swait.ge [sflag:s11], $0x2000  }
0x43: {  	[sflag:s11] =	ssyncset.done $0x0  }
0x44: {  	[sflag:s11] =	ssyncadd.s32 $0xFFFFE000  }
0x45: {  	[spmem:s20] =	stream.linear.scatter [tilespmem:s31], [sflag:$0x2], $0x2000, $0x38;
	[tilespmem:$0x1C900] =	vst v63  }
0x46: {  	_ =	swait.ge [sflag:s11], $0x2000  }
0x47: {  	[sflag:s11] =	ssyncset.done $0x0  }
0x48: {  	[sflag:s11] =	ssyncadd.s32 $0xFFFFE000  }
0x49: {  	[spmem:s21] =	stream.linear.scatter [tilespmem:s31], [sflag:$0x2], $0x2000, $0x38;
	[tilespmem:$0x1C900] =	vst v63  }
0x4a: {  	_ =	swait.ge [sflag:s11], $0x2000  }
0x4b: {  	[sflag:s11] =	ssyncset.done $0x0  }
0x4c: {  	[sflag:s11] =	ssyncadd.s32 $0xFFFFE000  }
0x4d: {  	[spmem:s22] =	stream.linear.scatter [tilespmem:s31], [sflag:$0x2], $0x2000, $0x38;
	[tilespmem:$0x1C900] =	vst v63  }
0x4e: {  	_ =	swait.ge [sflag:s11], $0x2000  }
0x4f: {  	[sflag:s11] =	ssyncset.done $0x0  }
0x50: {  	[sflag:s11] =	ssyncadd.s32 $0xFFFFE000  }
0x51: {  	[spmem:s23] =	stream.linear.scatter [tilespmem:s31], [sflag:$0x2], $0x2000, $0x38;
	[tilespmem:$0x1C900] =	vst v63  }
0x52: {  	_ =	swait.ge [sflag:s11], $0x2000  }
0x53: {  	[sflag:s11] =	ssyncset.done $0x0  }
0x54: {  	[sflag:s11] =	ssyncadd.s32 $0xFFFFE000  }
0x55: {  	[spmem:s24] =	stream.linear.scatter [tilespmem:s31], [sflag:$0x2], $0x2000, $0x38;
	[tilespmem:$0x1C900] =	vst v63  }
0x56: {  	_ =	swait.ge [sflag:s11], $0x2000  }
0x57: {  	[sflag:s11] =	ssyncset.done $0x0  }
0x58: {  	[sflag:s11] =	ssyncadd.s32 $0xFFFFE000  }
0x59: {  	[spmem:s25] =	stream.linear.scatter [tilespmem:s31], [sflag:$0x2], $0x2000, $0x38;
	[tilespmem:$0x1C900] =	vst v63  }
0x5a: {  	_ =	swait.ge [sflag:s11], $0x2000  }
0x5b: {  	[sflag:s11] =	ssyncset.done $0x0  }
0x5c: {  	[sflag:s11] =	ssyncadd.s32 $0xFFFFE000  }
0x5d: {  	[spmem:s26] =	stream.linear.scatter [tilespmem:s31], [sflag:$0x2], $0x2000, $0x38;
	[tilespmem:$0x1C900] =	vst v63  }
0x5e: {  	_ =	swait.ge [sflag:s11], $0x2000  }
0x5f: {  	[sflag:s11] =	ssyncset.done $0x0  }
0x60: {  	[sflag:s11] =	ssyncadd.s32 $0xFFFFE000  }
0x61: {  	s7 =	simm.s32 $0x0;
	[bflag:$0x0] =	sbarrier.arrive $0xFFFF  }
.LBB2_6:
0x62: {  	s8 =	sadd.s32 s28, s7  }
0x63: {  	s9 =	sshll.u32 s8, $0x4  }
0x64: {  	s9 =	sadd.s32 s12, s9  }
0x65: {  	[tilespmem:s1], [sflag:$0x2] =	stream.linear.gather [hbm4b:s9+s1], $0x80, $0x38;
	[tilespmem:$0x1C900] =	vst v63  }
0x66: {  	_ =	swait.ge [sflag:s11], $0x80  }
0x67: {  	[sflag:s11] =	ssyncset.done $0x0  }
0x68: {  	s8 =	sshll.u32 s8, $0xA;
	[sflag:s11] =	ssyncadd.s32 $0xFFFFFF80  }
0x69: {  	[tilespmem:s2], [sflag:$0x1] =	stream.indirect.gather [hbm4b:s15+s0], $0x80, s1, s0, $0xb8;
	[tilespmem:$0x1C900] =	vst v63  }
0x6a: {  	s8 =	sadd.s32 s16, s8  }
0x6b: {  	[tilespmem:s31], [sflag:$0x2] =	stream.linear.gather [hbm4b:s8+s1], $0x2000, $0x38;
	[tilespmem:$0x1C900] =	vst v63  }
0x6c: {  	_ =	swait.ge [sflag:s11], $0x2000  }
0x6d: {  	[sflag:s11] =	ssyncset.done $0x0  }
0x6e: {  	[sflag:s11] =	ssyncadd.s32 $0xFFFFE000  }
0x6f: {  	v2 =	vld [tilespmem:$0x40]  }
0x70: {  	v3 =	vld [tilespmem:$0x50]  }
0x71: {  	v4 =	vld [tilespmem:$0x60]  }
0x72: {  	v5 =	vld [tilespmem:$0x70];
	_ =	sdelay $0x1  }
0x73: {  	v2 =	vadd.s32 $0xFFFFD800, v2  }
0x74: {  	[tilespmem:$0x80] =	vst v2;
	v2 =	vadd.s32 $0xFFFFD800, v3  }
0x75: {  	[tilespmem:$0x90] =	vst v2;
	v2 =	vadd.s32 $0xFFFFD800, v4  }
0x76: {  	[tilespmem:$0xA0] =	vst v2;
	v2 =	vadd.s32 $0xFFFFD800, v5  }
0x77: {  	[tilespmem:$0xB0] =	vst v2  }
0x78: {  	_ =	swait.ge [sflag:s3], $0x4000  }
0x79: {  	s10 =	simm.s32 $0x4180;
	[sflag:s3] =	ssyncset.done $0x0  }
0x7a: {  	s9 =	simm.s32 $0x2100;
	s8 =	simm.s32 $0xFFFFFFFE;
	[sflag:s3] =	ssyncadd.s32 $0xFFFFC000  }
.LBB2_7:
0x7b: {  	v2 =	vld [tilespmem:s9+$0xFFFFE000]  }
0x7c: {  	v3 =	vld [tilespmem:s9+$0x0];
	_ =	sdelay $0x1  }
0x7d: {  	v4 =	vld [tilespmem:s10+$0xFFFFFF80];
	_ =	sdelay $0x2  }
0x7e: {  	v2 =	vadd.f32 v3, v2;
	_ =	sdelay $0x1  }
0x7f: {  	v2 =	vadd.f32 v4, v2;
	_ =	sdelay $0x1  }
0x80: {  	v3 =	vmul.f32 v2, v2;
	_ =	sdelay $0x1  }
0x81: {  	v3 =	vmul.f32 v3, v2;
	_ =	sdelay $0x1  }
0x82: {  	v3 =	vmul.f32 $4.471499850e-02, v3;
	_ =	sdelay $0x1  }
0x83: {  	v3 =	vadd.f32 v3, v2;
	_ =	sdelay $0x1  }
0x84: {  	v3 =	vmul.f32 $1.595769170e+00, v3;
	_ =	sdelay $0x1  }
0x85: {  	v3 =	vmax.f32 v3, $-3.000000000e+01  }
0x86: {  	v3 =	vmin.f32 v3, $3.000000000e+01  }
0x87: {  	v3 =	vmul.f32 $1.442695020e+00, v3;
	_ =	sdelay $0x1  }
0x88: {  	(erf) = vpow2.f32 v3;
	_ =	sdelay $0x8  }
0x89: {  	v3 =	vpop (erf)  }
0x8a: {  	v33 =	vadd.f32 $1.000000000e+00, v3;
	_ =	sdelay $0x1  }
0x8b: {  	(erf) = vrcp.f32 v33;
	_ =	sdelay $0x8  }
0x8c: {  	v4 =	vpop (erf)  }
0x8d: {  	v3 =	vmul.f32 v4, v3;
	_ =	sdelay $0x1  }
0x8e: {  	v2 =	vmul.f32 v3, v2;
	_ =	sdelay $0x1  }
0x8f: {  	[tilespmem:s10+$0xFFFFFF80] =	vst v2  }
0x90: {  	v2 =	vld [tilespmem:s9+$0xFFFFE010]  }
0x91: {  	v3 =	vld [tilespmem:s9+$0x10];
	_ =	sdelay $0x1  }
0x92: {  	v34 =	vld [tilespmem:s10+$0xFFFFFF90];
	_ =	sdelay $0x2  }
0x93: {  	v2 =	vadd.f32 v3, v2;
	_ =	sdelay $0x1  }
0x94: {  	v2 =	vadd.f32 v34, v2;
	_ =	sdelay $0x1  }
0x95: {  	v3 =	vmul.f32 v2, v2;
	_ =	sdelay $0x1  }
0x96: {  	v3 =	vmul.f32 v3, v2;
	_ =	sdelay $0x1  }
0x97: {  	v3 =	vmul.f32 $4.471499850e-02, v3;
	_ =	sdelay $0x1  }
0x98: {  	v3 =	vadd.f32 v3, v2;
	_ =	sdelay $0x1  }
0x99: {  	v3 =	vmul.f32 $1.595769170e+00, v3;
	_ =	sdelay $0x1  }
0x9a: {  	v3 =	vmax.f32 v3, $-3.000000000e+01  }
0x9b: {  	v3 =	vmin.f32 v3, $3.000000000e+01  }
0x9c: {  	v3 =	vmul.f32 $1.442695020e+00, v3;
	_ =	sdelay $0x1  }
0x9d: {  	(erf) = vpow2.f32 v3;
	_ =	sdelay $0x8  }
0x9e: {  	v3 =	vpop (erf)  }
0x9f: {  	v35 =	vadd.f32 $1.000000000e+00, v3;
	_ =	sdelay $0x1  }
0xa0: {  	(erf) = vrcp.f32 v35;
	_ =	sdelay $0x8  }
0xa1: {  	v4 =	vpop (erf)  }
0xa2: {  	v3 =	vmul.f32 v4, v3;
	_ =	sdelay $0x1  }
0xa3: {  	v2 =	vmul.f32 v3, v2;
	_ =	sdelay $0x1  }
0xa4: {  	[tilespmem:s10+$0xFFFFFF90] =	vst v2  }
0xa5: {  	v2 =	vld [tilespmem:s9+$0xFFFFE020]  }
0xa6: {  	v3 =	vld [tilespmem:s9+$0x20];
	_ =	sdelay $0x1  }
0xa7: {  	v36 =	vld [tilespmem:s10+$0xFFFFFFA0];
	_ =	sdelay $0x2  }
0xa8: {  	v2 =	vadd.f32 v3, v2;
	_ =	sdelay $0x1  }
0xa9: {  	v2 =	vadd.f32 v36, v2;
	_ =	sdelay $0x1  }
0xaa: {  	v3 =	vmul.f32 v2, v2;
	_ =	sdelay $0x1  }
0xab: {  	v3 =	vmul.f32 v3, v2;
	_ =	sdelay $0x1  }
0xac: {  	v3 =	vmul.f32 $4.471499850e-02, v3;
	_ =	sdelay $0x1  }
0xad: {  	v3 =	vadd.f32 v3, v2;
	_ =	sdelay $0x1  }
0xae: {  	v3 =	vmul.f32 $1.595769170e+00, v3;
	_ =	sdelay $0x1  }
0xaf: {  	v3 =	vmax.f32 v3, $-3.000000000e+01  }
0xb0: {  	v3 =	vmin.f32 v3, $3.000000000e+01  }
0xb1: {  	v3 =	vmul.f32 $1.442695020e+00, v3;
	_ =	sdelay $0x1  }
0xb2: {  	(erf) = vpow2.f32 v3;
	_ =	sdelay $0x8  }
0xb3: {  	v3 =	vpop (erf)  }
0xb4: {  	v37 =	vadd.f32 $1.000000000e+00, v3;
	_ =	sdelay $0x1  }
0xb5: {  	(erf) = vrcp.f32 v37;
	_ =	sdelay $0x8  }
0xb6: {  	v4 =	vpop (erf)  }
0xb7: {  	v3 =	vmul.f32 v4, v3;
	_ =	sdelay $0x1  }
0xb8: {  	v2 =	vmul.f32 v3, v2;
	_ =	sdelay $0x1  }
0xb9: {  	[tilespmem:s10+$0xFFFFFFA0] =	vst v2  }
0xba: {  	v2 =	vld [tilespmem:s9+$0xFFFFE030]  }
0xbb: {  	v3 =	vld [tilespmem:s9+$0x30];
	_ =	sdelay $0x1  }
0xbc: {  	v38 =	vld [tilespmem:s10+$0xFFFFFFB0];
	_ =	sdelay $0x2  }
0xbd: {  	v2 =	vadd.f32 v3, v2;
	_ =	sdelay $0x1  }
0xbe: {  	v2 =	vadd.f32 v38, v2;
	_ =	sdelay $0x1  }
0xbf: {  	v3 =	vmul.f32 v2, v2;
	_ =	sdelay $0x1  }
0xc0: {  	v3 =	vmul.f32 v3, v2;
	_ =	sdelay $0x1  }
0xc1: {  	v3 =	vmul.f32 $4.471499850e-02, v3;
	_ =	sdelay $0x1  }
0xc2: {  	v3 =	vadd.f32 v3, v2;
	_ =	sdelay $0x1  }
0xc3: {  	v3 =	vmul.f32 $1.595769170e+00, v3;
	_ =	sdelay $0x1  }
0xc4: {  	v3 =	vmax.f32 v3, $-3.000000000e+01  }
0xc5: {  	v3 =	vmin.f32 v3, $3.000000000e+01  }
0xc6: {  	v3 =	vmul.f32 $1.442695020e+00, v3;
	_ =	sdelay $0x1  }
0xc7: {  	(erf) = vpow2.f32 v3;
	_ =	sdelay $0x8  }
0xc8: {  	v3 =	vpop (erf)  }
0xc9: {  	v39 =	vadd.f32 $1.000000000e+00, v3;
	_ =	sdelay $0x1  }
0xca: {  	(erf) = vrcp.f32 v39;
	_ =	sdelay $0x8  }
0xcb: {  	v4 =	vpop (erf)  }
0xcc: {  	v3 =	vmul.f32 v4, v3;
	_ =	sdelay $0x1  }
0xcd: {  	v2 =	vmul.f32 v3, v2;
	_ =	sdelay $0x1  }
0xce: {  	[tilespmem:s10+$0xFFFFFFB0] =	vst v2  }
0xcf: {  	v2 =	vld [tilespmem:s9+$0xFFFFE040]  }
0xd0: {  	v3 =	vld [tilespmem:s9+$0x40];
	_ =	sdelay $0x1  }
0xd1: {  	v40 =	vld [tilespmem:s10+$0xFFFFFFC0];
	_ =	sdelay $0x2  }
0xd2: {  	v2 =	vadd.f32 v3, v2;
	_ =	sdelay $0x1  }
0xd3: {  	v2 =	vadd.f32 v40, v2;
	_ =	sdelay $0x1  }
0xd4: {  	v3 =	vmul.f32 v2, v2;
	_ =	sdelay $0x1  }
0xd5: {  	v3 =	vmul.f32 v3, v2;
	_ =	sdelay $0x1  }
0xd6: {  	v3 =	vmul.f32 $4.471499850e-02, v3;
	_ =	sdelay $0x1  }
0xd7: {  	v3 =	vadd.f32 v3, v2;
	_ =	sdelay $0x1  }
0xd8: {  	v3 =	vmul.f32 $1.595769170e+00, v3;
	_ =	sdelay $0x1  }
0xd9: {  	v3 =	vmax.f32 v3, $-3.000000000e+01  }
0xda: {  	v3 =	vmin.f32 v3, $3.000000000e+01  }
0xdb: {  	v3 =	vmul.f32 $1.442695020e+00, v3;
	_ =	sdelay $0x1  }
0xdc: {  	(erf) = vpow2.f32 v3;
	_ =	sdelay $0x8  }
0xdd: {  	v3 =	vpop (erf)  }
0xde: {  	v41 =	vadd.f32 $1.000000000e+00, v3;
	_ =	sdelay $0x1  }
0xdf: {  	(erf) = vrcp.f32 v41;
	_ =	sdelay $0x8  }
0xe0: {  	v4 =	vpop (erf)  }
0xe1: {  	v3 =	vmul.f32 v4, v3;
	_ =	sdelay $0x1  }
0xe2: {  	v2 =	vmul.f32 v3, v2;
	_ =	sdelay $0x1  }
0xe3: {  	[tilespmem:s10+$0xFFFFFFC0] =	vst v2  }
0xe4: {  	v2 =	vld [tilespmem:s9+$0xFFFFE050]  }
0xe5: {  	v3 =	vld [tilespmem:s9+$0x50];
	_ =	sdelay $0x1  }
0xe6: {  	v42 =	vld [tilespmem:s10+$0xFFFFFFD0];
	_ =	sdelay $0x2  }
0xe7: {  	v2 =	vadd.f32 v3, v2;
	_ =	sdelay $0x1  }
0xe8: {  	v2 =	vadd.f32 v42, v2;
	_ =	sdelay $0x1  }
0xe9: {  	v3 =	vmul.f32 v2, v2;
	_ =	sdelay $0x1  }
0xea: {  	v3 =	vmul.f32 v3, v2;
	_ =	sdelay $0x1  }
0xeb: {  	v3 =	vmul.f32 $4.471499850e-02, v3;
	_ =	sdelay $0x1  }
0xec: {  	v3 =	vadd.f32 v3, v2;
	_ =	sdelay $0x1  }
0xed: {  	v3 =	vmul.f32 $1.595769170e+00, v3;
	_ =	sdelay $0x1  }
0xee: {  	v3 =	vmax.f32 v3, $-3.000000000e+01  }
0xef: {  	v3 =	vmin.f32 v3, $3.000000000e+01  }
0xf0: {  	v3 =	vmul.f32 $1.442695020e+00, v3;
	_ =	sdelay $0x1  }
0xf1: {  	(erf) = vpow2.f32 v3;
	_ =	sdelay $0x8  }
0xf2: {  	v3 =	vpop (erf)  }
0xf3: {  	v43 =	vadd.f32 $1.000000000e+00, v3;
	_ =	sdelay $0x1  }
0xf4: {  	(erf) = vrcp.f32 v43;
	_ =	sdelay $0x8  }
0xf5: {  	v4 =	vpop (erf)  }
0xf6: {  	v3 =	vmul.f32 v4, v3;
	_ =	sdelay $0x1  }
0xf7: {  	v2 =	vmul.f32 v3, v2;
	_ =	sdelay $0x1  }
0xf8: {  	[tilespmem:s10+$0xFFFFFFD0] =	vst v2  }
0xf9: {  	v2 =	vld [tilespmem:s9+$0xFFFFE060]  }
0xfa: {  	v3 =	vld [tilespmem:s9+$0x60];
	_ =	sdelay $0x1  }
0xfb: {  	v44 =	vld [tilespmem:s10+$0xFFFFFFE0];
	_ =	sdelay $0x2  }
0xfc: {  	v2 =	vadd.f32 v3, v2;
	_ =	sdelay $0x1  }
0xfd: {  	v2 =	vadd.f32 v44, v2;
	_ =	sdelay $0x1  }
0xfe: {  	v3 =	vmul.f32 v2, v2;
	_ =	sdelay $0x1  }
0xff: {  	v3 =	vmul.f32 v3, v2;
	_ =	sdelay $0x1  }
0x100: {  	v3 =	vmul.f32 $4.471499850e-02, v3;
	_ =	sdelay $0x1  }
0x101: {  	v3 =	vadd.f32 v3, v2;
	_ =	sdelay $0x1  }
0x102: {  	v3 =	vmul.f32 $1.595769170e+00, v3;
	_ =	sdelay $0x1  }
0x103: {  	v3 =	vmax.f32 v3, $-3.000000000e+01  }
0x104: {  	v3 =	vmin.f32 v3, $3.000000000e+01  }
0x105: {  	v3 =	vmul.f32 $1.442695020e+00, v3;
	_ =	sdelay $0x1  }
0x106: {  	(erf) = vpow2.f32 v3;
	_ =	sdelay $0x8  }
0x107: {  	v3 =	vpop (erf)  }
0x108: {  	v45 =	vadd.f32 $1.000000000e+00, v3;
	_ =	sdelay $0x1  }
0x109: {  	(erf) = vrcp.f32 v45;
	_ =	sdelay $0x8  }
0x10a: {  	v4 =	vpop (erf)  }
0x10b: {  	v3 =	vmul.f32 v4, v3;
	_ =	sdelay $0x1  }
0x10c: {  	v2 =	vmul.f32 v3, v2;
	_ =	sdelay $0x1  }
0x10d: {  	[tilespmem:s10+$0xFFFFFFE0] =	vst v2  }
0x10e: {  	v2 =	vld [tilespmem:s9+$0xFFFFE070]  }
0x10f: {  	v3 =	vld [tilespmem:s9+$0x70];
	_ =	sdelay $0x1  }
0x110: {  	v46 =	vld [tilespmem:s10+$0xFFFFFFF0];
	_ =	sdelay $0x2  }
0x111: {  	v2 =	vadd.f32 v3, v2;
	_ =	sdelay $0x1  }
0x112: {  	v2 =	vadd.f32 v46, v2;
	_ =	sdelay $0x1  }
0x113: {  	v3 =	vmul.f32 v2, v2;
	_ =	sdelay $0x1  }
0x114: {  	v3 =	vmul.f32 v3, v2;
	_ =	sdelay $0x1  }
0x115: {  	v3 =	vmul.f32 $4.471499850e-02, v3;
	_ =	sdelay $0x1  }
0x116: {  	v3 =	vadd.f32 v3, v2;
	_ =	sdelay $0x1  }
0x117: {  	v3 =	vmul.f32 $1.595769170e+00, v3;
	_ =	sdelay $0x1  }
0x118: {  	v3 =	vmax.f32 v3, $-3.000000000e+01  }
0x119: {  	v3 =	vmin.f32 v3, $3.000000000e+01  }
0x11a: {  	v3 =	vmul.f32 $1.442695020e+00, v3;
	_ =	sdelay $0x1  }
0x11b: {  	(erf) = vpow2.f32 v3;
	_ =	sdelay $0x8  }
0x11c: {  	v3 =	vpop (erf)  }
0x11d: {  	v47 =	vadd.f32 $1.000000000e+00, v3;
	_ =	sdelay $0x1  }
0x11e: {  	(erf) = vrcp.f32 v47;
	_ =	sdelay $0x8  }
0x11f: {  	v4 =	vpop (erf)  }
0x120: {  	v3 =	vmul.f32 v4, v3;
	_ =	sdelay $0x1  }
0x121: {  	v2 =	vmul.f32 v3, v2;
	_ =	sdelay $0x1  }
0x122: {  	[tilespmem:s10+$0xFFFFFFF0] =	vst v2  }
0x123: {  	v2 =	vld [tilespmem:s9+$0xFFFFE080]  }
0x124: {  	v3 =	vld [tilespmem:s9+$0x80];
	_ =	sdelay $0x1  }
0x125: {  	v48 =	vld [tilespmem:s10+$0x0];
	_ =	sdelay $0x2  }
0x126: {  	v2 =	vadd.f32 v3, v2;
	_ =	sdelay $0x1  }
0x127: {  	v2 =	vadd.f32 v48, v2;
	_ =	sdelay $0x1  }
0x128: {  	v3 =	vmul.f32 v2, v2;
	_ =	sdelay $0x1  }
0x129: {  	v3 =	vmul.f32 v3, v2;
	_ =	sdelay $0x1  }
0x12a: {  	v3 =	vmul.f32 $4.471499850e-02, v3;
	_ =	sdelay $0x1  }
0x12b: {  	v3 =	vadd.f32 v3, v2;
	_ =	sdelay $0x1  }
0x12c: {  	v3 =	vmul.f32 $1.595769170e+00, v3;
	_ =	sdelay $0x1  }
0x12d: {  	v3 =	vmax.f32 v3, $-3.000000000e+01  }
0x12e: {  	v3 =	vmin.f32 v3, $3.000000000e+01  }
0x12f: {  	v3 =	vmul.f32 $1.442695020e+00, v3;
	_ =	sdelay $0x1  }
0x130: {  	(erf) = vpow2.f32 v3;
	_ =	sdelay $0x8  }
0x131: {  	v3 =	vpop (erf)  }
0x132: {  	v49 =	vadd.f32 $1.000000000e+00, v3;
	_ =	sdelay $0x1  }
0x133: {  	(erf) = vrcp.f32 v49;
	_ =	sdelay $0x8  }
0x134: {  	v4 =	vpop (erf)  }
0x135: {  	v3 =	vmul.f32 v4, v3;
	_ =	sdelay $0x1  }
0x136: {  	v2 =	vmul.f32 v3, v2;
	_ =	sdelay $0x1  }
0x137: {  	[tilespmem:s10+$0x0] =	vst v2  }
0x138: {  	v2 =	vld [tilespmem:s9+$0xFFFFE090]  }
0x139: {  	v3 =	vld [tilespmem:s9+$0x90];
	_ =	sdelay $0x1  }
0x13a: {  	v50 =	vld [tilespmem:s10+$0x10];
	_ =	sdelay $0x2  }
0x13b: {  	v2 =	vadd.f32 v3, v2;
	_ =	sdelay $0x1  }
0x13c: {  	v2 =	vadd.f32 v50, v2;
	_ =	sdelay $0x1  }
0x13d: {  	v3 =	vmul.f32 v2, v2;
	_ =	sdelay $0x1  }
0x13e: {  	v3 =	vmul.f32 v3, v2;
	_ =	sdelay $0x1  }
0x13f: {  	v3 =	vmul.f32 $4.471499850e-02, v3;
	_ =	sdelay $0x1  }
0x140: {  	v3 =	vadd.f32 v3, v2;
	_ =	sdelay $0x1  }
0x141: {  	v3 =	vmul.f32 $1.595769170e+00, v3;
	_ =	sdelay $0x1  }
0x142: {  	v3 =	vmax.f32 v3, $-3.000000000e+01  }
0x143: {  	v3 =	vmin.f32 v3, $3.000000000e+01  }
0x144: {  	v3 =	vmul.f32 $1.442695020e+00, v3;
	_ =	sdelay $0x1  }
0x145: {  	(erf) = vpow2.f32 v3;
	_ =	sdelay $0x8  }
0x146: {  	v3 =	vpop (erf)  }
0x147: {  	v51 =	vadd.f32 $1.000000000e+00, v3;
	_ =	sdelay $0x1  }
0x148: {  	(erf) = vrcp.f32 v51;
	_ =	sdelay $0x8  }
0x149: {  	v4 =	vpop (erf)  }
0x14a: {  	v3 =	vmul.f32 v4, v3;
	_ =	sdelay $0x1  }
0x14b: {  	v2 =	vmul.f32 v3, v2;
	_ =	sdelay $0x1  }
0x14c: {  	[tilespmem:s10+$0x10] =	vst v2  }
0x14d: {  	v2 =	vld [tilespmem:s9+$0xFFFFE0A0]  }
0x14e: {  	v3 =	vld [tilespmem:s9+$0xA0];
	_ =	sdelay $0x1  }
0x14f: {  	v52 =	vld [tilespmem:s10+$0x20];
	_ =	sdelay $0x2  }
0x150: {  	v2 =	vadd.f32 v3, v2;
	_ =	sdelay $0x1  }
0x151: {  	v2 =	vadd.f32 v52, v2;
	_ =	sdelay $0x1  }
0x152: {  	v3 =	vmul.f32 v2, v2;
	_ =	sdelay $0x1  }
0x153: {  	v3 =	vmul.f32 v3, v2;
	_ =	sdelay $0x1  }
0x154: {  	v3 =	vmul.f32 $4.471499850e-02, v3;
	_ =	sdelay $0x1  }
0x155: {  	v3 =	vadd.f32 v3, v2;
	_ =	sdelay $0x1  }
0x156: {  	v3 =	vmul.f32 $1.595769170e+00, v3;
	_ =	sdelay $0x1  }
0x157: {  	v3 =	vmax.f32 v3, $-3.000000000e+01  }
0x158: {  	v3 =	vmin.f32 v3, $3.000000000e+01  }
0x159: {  	v3 =	vmul.f32 $1.442695020e+00, v3;
	_ =	sdelay $0x1  }
0x15a: {  	(erf) = vpow2.f32 v3;
	_ =	sdelay $0x8  }
0x15b: {  	v3 =	vpop (erf)  }
0x15c: {  	v53 =	vadd.f32 $1.000000000e+00, v3;
	_ =	sdelay $0x1  }
0x15d: {  	(erf) = vrcp.f32 v53;
	_ =	sdelay $0x8  }
0x15e: {  	v4 =	vpop (erf)  }
0x15f: {  	v3 =	vmul.f32 v4, v3;
	_ =	sdelay $0x1  }
0x160: {  	v2 =	vmul.f32 v3, v2;
	_ =	sdelay $0x1  }
0x161: {  	[tilespmem:s10+$0x20] =	vst v2  }
0x162: {  	v2 =	vld [tilespmem:s9+$0xFFFFE0B0]  }
0x163: {  	v3 =	vld [tilespmem:s9+$0xB0];
	_ =	sdelay $0x1  }
0x164: {  	v54 =	vld [tilespmem:s10+$0x30];
	_ =	sdelay $0x2  }
0x165: {  	v2 =	vadd.f32 v3, v2;
	_ =	sdelay $0x1  }
0x166: {  	v2 =	vadd.f32 v54, v2;
	_ =	sdelay $0x1  }
0x167: {  	v3 =	vmul.f32 v2, v2;
	_ =	sdelay $0x1  }
0x168: {  	v3 =	vmul.f32 v3, v2;
	_ =	sdelay $0x1  }
0x169: {  	v3 =	vmul.f32 $4.471499850e-02, v3;
	_ =	sdelay $0x1  }
0x16a: {  	v3 =	vadd.f32 v3, v2;
	_ =	sdelay $0x1  }
0x16b: {  	v3 =	vmul.f32 $1.595769170e+00, v3;
	_ =	sdelay $0x1  }
0x16c: {  	v3 =	vmax.f32 v3, $-3.000000000e+01  }
0x16d: {  	v3 =	vmin.f32 v3, $3.000000000e+01  }
0x16e: {  	v3 =	vmul.f32 $1.442695020e+00, v3;
	_ =	sdelay $0x1  }
0x16f: {  	(erf) = vpow2.f32 v3;
	_ =	sdelay $0x8  }
0x170: {  	v3 =	vpop (erf)  }
0x171: {  	v55 =	vadd.f32 $1.000000000e+00, v3;
	_ =	sdelay $0x1  }
0x172: {  	(erf) = vrcp.f32 v55;
	_ =	sdelay $0x8  }
0x173: {  	v4 =	vpop (erf)  }
0x174: {  	v3 =	vmul.f32 v4, v3;
	_ =	sdelay $0x1  }
0x175: {  	v2 =	vmul.f32 v3, v2;
	_ =	sdelay $0x1  }
0x176: {  	[tilespmem:s10+$0x30] =	vst v2  }
0x177: {  	v2 =	vld [tilespmem:s9+$0xFFFFE0C0]  }
0x178: {  	v3 =	vld [tilespmem:s9+$0xC0];
	_ =	sdelay $0x1  }
0x179: {  	v56 =	vld [tilespmem:s10+$0x40];
	_ =	sdelay $0x2  }
0x17a: {  	v2 =	vadd.f32 v3, v2;
	_ =	sdelay $0x1  }
0x17b: {  	v2 =	vadd.f32 v56, v2;
	_ =	sdelay $0x1  }
0x17c: {  	v3 =	vmul.f32 v2, v2;
	_ =	sdelay $0x1  }
0x17d: {  	v3 =	vmul.f32 v3, v2;
	_ =	sdelay $0x1  }
0x17e: {  	v3 =	vmul.f32 $4.471499850e-02, v3;
	_ =	sdelay $0x1  }
0x17f: {  	v3 =	vadd.f32 v3, v2;
	_ =	sdelay $0x1  }
0x180: {  	v3 =	vmul.f32 $1.595769170e+00, v3;
	_ =	sdelay $0x1  }
0x181: {  	v3 =	vmax.f32 v3, $-3.000000000e+01  }
0x182: {  	v3 =	vmin.f32 v3, $3.000000000e+01  }
0x183: {  	v3 =	vmul.f32 $1.442695020e+00, v3;
	_ =	sdelay $0x1  }
0x184: {  	(erf) = vpow2.f32 v3;
	_ =	sdelay $0x8  }
0x185: {  	v3 =	vpop (erf)  }
0x186: {  	v57 =	vadd.f32 $1.000000000e+00, v3;
	_ =	sdelay $0x1  }
0x187: {  	(erf) = vrcp.f32 v57;
	_ =	sdelay $0x8  }
0x188: {  	v4 =	vpop (erf)  }
0x189: {  	v3 =	vmul.f32 v4, v3;
	_ =	sdelay $0x1  }
0x18a: {  	v2 =	vmul.f32 v3, v2;
	_ =	sdelay $0x1  }
0x18b: {  	[tilespmem:s10+$0x40] =	vst v2  }
0x18c: {  	v2 =	vld [tilespmem:s9+$0xFFFFE0D0]  }
0x18d: {  	v3 =	vld [tilespmem:s9+$0xD0];
	_ =	sdelay $0x1  }
0x18e: {  	v58 =	vld [tilespmem:s10+$0x50];
	_ =	sdelay $0x2  }
0x18f: {  	v2 =	vadd.f32 v3, v2;
	_ =	sdelay $0x1  }
0x190: {  	v2 =	vadd.f32 v58, v2;
	_ =	sdelay $0x1  }
0x191: {  	v3 =	vmul.f32 v2, v2;
	_ =	sdelay $0x1  }
0x192: {  	v3 =	vmul.f32 v3, v2;
	_ =	sdelay $0x1  }
0x193: {  	v3 =	vmul.f32 $4.471499850e-02, v3;
	_ =	sdelay $0x1  }
0x194: {  	v3 =	vadd.f32 v3, v2;
	_ =	sdelay $0x1  }
0x195: {  	v3 =	vmul.f32 $1.595769170e+00, v3;
	_ =	sdelay $0x1  }
0x196: {  	v3 =	vmax.f32 v3, $-3.000000000e+01  }
0x197: {  	v3 =	vmin.f32 v3, $3.000000000e+01  }
0x198: {  	v3 =	vmul.f32 $1.442695020e+00, v3;
	_ =	sdelay $0x1  }
0x199: {  	(erf) = vpow2.f32 v3;
	_ =	sdelay $0x8  }
0x19a: {  	v3 =	vpop (erf)  }
0x19b: {  	v59 =	vadd.f32 $1.000000000e+00, v3;
	_ =	sdelay $0x1  }
0x19c: {  	(erf) = vrcp.f32 v59;
	_ =	sdelay $0x8  }
0x19d: {  	v4 =	vpop (erf)  }
0x19e: {  	v3 =	vmul.f32 v4, v3;
	_ =	sdelay $0x1  }
0x19f: {  	v2 =	vmul.f32 v3, v2;
	_ =	sdelay $0x1  }
0x1a0: {  	[tilespmem:s10+$0x50] =	vst v2  }
0x1a1: {  	v2 =	vld [tilespmem:s9+$0xFFFFE0E0]  }
0x1a2: {  	v3 =	vld [tilespmem:s9+$0xE0];
	_ =	sdelay $0x1  }
0x1a3: {  	v60 =	vld [tilespmem:s10+$0x60];
	_ =	sdelay $0x2  }
0x1a4: {  	v2 =	vadd.f32 v3, v2;
	_ =	sdelay $0x1  }
0x1a5: {  	v2 =	vadd.f32 v60, v2;
	_ =	sdelay $0x1  }
0x1a6: {  	v3 =	vmul.f32 v2, v2;
	_ =	sdelay $0x1  }
0x1a7: {  	v3 =	vmul.f32 v3, v2;
	_ =	sdelay $0x1  }
0x1a8: {  	v3 =	vmul.f32 $4.471499850e-02, v3;
	_ =	sdelay $0x1  }
0x1a9: {  	v3 =	vadd.f32 v3, v2;
	_ =	sdelay $0x1  }
0x1aa: {  	v3 =	vmul.f32 $1.595769170e+00, v3;
	_ =	sdelay $0x1  }
0x1ab: {  	v3 =	vmax.f32 v3, $-3.000000000e+01  }
0x1ac: {  	v3 =	vmin.f32 v3, $3.000000000e+01  }
0x1ad: {  	v3 =	vmul.f32 $1.442695020e+00, v3;
	_ =	sdelay $0x1  }
0x1ae: {  	(erf) = vpow2.f32 v3;
	_ =	sdelay $0x8  }
0x1af: {  	v3 =	vpop (erf)  }
0x1b0: {  	v61 =	vadd.f32 $1.000000000e+00, v3;
	_ =	sdelay $0x1  }
0x1b1: {  	(erf) = vrcp.f32 v61;
	_ =	sdelay $0x8  }
0x1b2: {  	v4 =	vpop (erf)  }
0x1b3: {  	v3 =	vmul.f32 v4, v3;
	_ =	sdelay $0x1  }
0x1b4: {  	v2 =	vmul.f32 v3, v2;
	_ =	sdelay $0x1  }
0x1b5: {  	[tilespmem:s10+$0x60] =	vst v2  }
0x1b6: {  	v2 =	vld [tilespmem:s9+$0xFFFFE0F0]  }
0x1b7: {  	v3 =	vld [tilespmem:s9+$0xF0];
	_ =	sdelay $0x1  }
0x1b8: {  	v62 =	vld [tilespmem:s10+$0x70];
	_ =	sdelay $0x2  }
0x1b9: {  	v2 =	vadd.f32 v3, v2;
	_ =	sdelay $0x1  }
0x1ba: {  	v2 =	vadd.f32 v62, v2;
	_ =	sdelay $0x1  }
0x1bb: {  	v3 =	vmul.f32 v2, v2;
	_ =	sdelay $0x1  }
0x1bc: {  	v3 =	vmul.f32 v3, v2;
	_ =	sdelay $0x1  }
0x1bd: {  	v3 =	vmul.f32 $4.471499850e-02, v3;
	_ =	sdelay $0x1  }
0x1be: {  	v3 =	vadd.f32 v3, v2;
	_ =	sdelay $0x1  }
0x1bf: {  	v3 =	vmul.f32 $1.595769170e+00, v3;
	_ =	sdelay $0x1  }
0x1c0: {  	v3 =	vmax.f32 v3, $-3.000000000e+01  }
0x1c1: {  	v3 =	vmin.f32 v3, $3.000000000e+01  }
0x1c2: {  	v3 =	vmul.f32 $1.442695020e+00, v3;
	_ =	sdelay $0x1  }
0x1c3: {  	(erf) = vpow2.f32 v3;
	_ =	sdelay $0x8  }
0x1c4: {  	v3 =	vpop (erf)  }
0x1c5: {  	v63 =	vadd.f32 $1.000000000e+00, v3;
	_ =	sdelay $0x1  }
0x1c6: {  	(erf) = vrcp.f32 v63;
	_ =	sdelay $0x7  }
0x1c7: {  	s8 =	sadd.s32 $0x2, s8  }
0x1c8: {  	p0 =	slt.u32 s8, $0x3E;
	v4 =	vpop (erf)  }
.Ltmp2:
0x1c9: {  	v3 =	vmul.f32 v4, v3;
	(pc) =	sbr.rel @p0 .LBB2_7-.Ltmp2, $3  }
0x1ca: {  	_ = 	snop  }
0x1cb: {  	v2 =	vmul.f32 v3, v2;
	_ =	sdelay $0x1  }
0x1cc: {  	s9 =	sadd.s32 $0x100, s9;
	[tilespmem:s10+$0x70] =	vst v2;
	s10 =	sadd.s32 $0x100, s10  }
0x1cd: {  	v2 =	vld [tilespmem:$0x80];
	_ =	sdelay $0x7  }
0x1ce: {  	[tilespmem:v2+s4+$0x0] =	vst.idx.add.f32.msk $0xffff, v1  }
0x1cf: {  	v2 =	vld [tilespmem:$0x90];
	_ =	sdelay $0x7  }
0x1d0: {  	[tilespmem:v2+s4+$0x0] =	vst.idx.add.f32.msk $0xffff, v1  }
0x1d1: {  	v2 =	vld [tilespmem:$0xA0];
	_ =	sdelay $0x7  }
0x1d2: {  	[tilespmem:v2+s4+$0x0] =	vst.idx.add.f32.msk $0xffff, v1  }
0x1d3: {  	v2 =	vld [tilespmem:$0xB0];
	_ =	sdelay $0x5  }
0x1d4: {  	s7 =	sadd.s32 $0x1, s7  }
0x1d5: {  	p0 =	sne.s32 s7, $0x9D  }
.Ltmp3:
0x1d6: {  	[tilespmem:v2+s4+$0x0] =	vst.idx.add.f32.msk $0xffff, v1;
	(pc) =	sbr.rel @p0 .LBB2_6-.Ltmp3, $4  }
0x1d7: {  	[spmem:s13] =	stream.indirect.scatter.add.f32 [tilespmem:s31], [sflag:$0x2], $0x80, s0, s5, $0xb8;
	[tilespmem:$0x1C900] =	vst v63  }
0x1d8: {  	_ =	swait.ge [sflag:s11], $0x2000  }
0x1d9: {  	[sflag:s11] =	ssyncset.done $0x0  }
0x1da: {  	[sflag:s11] =	ssyncadd.s32 $0xFFFFE000  }
0x1db: {  	s7 =	stileid.u32  }
0x1dc: {  	[bflag:$0x0] =	sbarrier.arrive $0xFFFF;
	s7 =	sshll.u32 s7, $0x6  }
0x1dd: {  	s8 =	sshrl.u32 s17, $0x3;
	s9 =	rddreg [dreg:$0x4];
	s7 =	sor.u32 $0x1C02, s7  }
0x1de: {  	[hbm:s9], [sflag:s7] =	dma.local [spmem:s8], $0x400  }
0x1df: {  	_ =	swait.ge [sflag:s11], $0x400  }
0x1e0: {  	[sflag:s11] =	ssyncset.done $0x0  }
0x1e1: {  	s9 =	sshrl.u32 s18, $0x3;
	s10 =	rddreg [dreg:$0x5];
	[sflag:s11] =	ssyncadd.s32 $0xFFFFFC00  }
0x1e2: {  	[hbm:s10], [sflag:s7] =	dma.local [spmem:s9], $0x400  }
0x1e3: {  	_ =	swait.ge [sflag:s11], $0x400  }
0x1e4: {  	[sflag:s11] =	ssyncset.done $0x0  }
0x1e5: {  	s9 =	sshrl.u32 s19, $0x3;
	s10 =	rddreg [dreg:$0x6];
	[sflag:s11] =	ssyncadd.s32 $0xFFFFFC00  }
0x1e6: {  	[hbm:s10], [sflag:s7] =	dma.local [spmem:s9], $0x400  }
0x1e7: {  	_ =	swait.ge [sflag:s11], $0x400  }
0x1e8: {  	[sflag:s11] =	ssyncset.done $0x0  }
0x1e9: {  	s9 =	sshrl.u32 s20, $0x3;
	s10 =	rddreg [dreg:$0x7];
	[sflag:s11] =	ssyncadd.s32 $0xFFFFFC00  }
0x1ea: {  	[hbm:s10], [sflag:s7] =	dma.local [spmem:s9], $0x400  }
0x1eb: {  	_ =	swait.ge [sflag:s11], $0x400  }
0x1ec: {  	[sflag:s11] =	ssyncset.done $0x0  }
0x1ed: {  	s9 =	sshrl.u32 s21, $0x3;
	s10 =	rddreg [dreg:$0x8];
	[sflag:s11] =	ssyncadd.s32 $0xFFFFFC00  }
0x1ee: {  	[hbm:s10], [sflag:s7] =	dma.local [spmem:s9], $0x400  }
0x1ef: {  	_ =	swait.ge [sflag:s11], $0x400  }
0x1f0: {  	[sflag:s11] =	ssyncset.done $0x0  }
0x1f1: {  	s9 =	sshrl.u32 s22, $0x3;
	s10 =	rddreg [dreg:$0x9];
	[sflag:s11] =	ssyncadd.s32 $0xFFFFFC00  }
0x1f2: {  	[hbm:s10], [sflag:s7] =	dma.local [spmem:s9], $0x400  }
0x1f3: {  	_ =	swait.ge [sflag:s11], $0x400  }
0x1f4: {  	[sflag:s11] =	ssyncset.done $0x0  }
0x1f5: {  	s9 =	sshrl.u32 s23, $0x3;
	s10 =	rddreg [dreg:$0xa];
	[sflag:s11] =	ssyncadd.s32 $0xFFFFFC00  }
0x1f6: {  	[hbm:s10], [sflag:s7] =	dma.local [spmem:s9], $0x400  }
0x1f7: {  	_ =	swait.ge [sflag:s11], $0x400  }
0x1f8: {  	[sflag:s11] =	ssyncset.done $0x0  }
0x1f9: {  	s9 =	sshrl.u32 s24, $0x3;
	s10 =	rddreg [dreg:$0xb];
	[sflag:s11] =	ssyncadd.s32 $0xFFFFFC00  }
0x1fa: {  	[hbm:s10], [sflag:s7] =	dma.local [spmem:s9], $0x400  }
0x1fb: {  	_ =	swait.ge [sflag:s11], $0x400  }
0x1fc: {  	[sflag:s11] =	ssyncset.done $0x0  }
0x1fd: {  	s9 =	sshrl.u32 s25, $0x3;
	s10 =	rddreg [dreg:$0xc];
	[sflag:s11] =	ssyncadd.s32 $0xFFFFFC00  }
0x1fe: {  	[hbm:s10], [sflag:s7] =	dma.local [spmem:s9], $0x400  }
0x1ff: {  	_ =	swait.ge [sflag:s11], $0x400  }
0x200: {  	[sflag:s11] =	ssyncset.done $0x0  }
0x201: {  	s9 =	sshrl.u32 s26, $0x3;
	[sflag:s11] =	ssyncadd.s32 $0xFFFFFC00  }
0x202: {  	[hbm:s14], [sflag:s7] =	dma.local [spmem:s9], $0x400  }
0x203: {  	s6 =	sadd.s32 $0x1, s6;
	_ =	swait.ge [sflag:s11], $0x400  }
0x204: {  	p0 =	sne.s32 s6, s30;
	[sflag:s11] =	ssyncset.done $0x0  }
.Ltmp4:
0x205: {  	s10 =	simm.s32 $0x400;
	[sflag:s11] =	ssyncadd.s32 $0xFFFFFC00;
	(pc) =	sbr.rel @p0 .LBB2_1-.Ltmp4, $4  }
0x206: {  	[hbm4b:s29+s0] =	stream.strided.scatter [tilespmem:s4], [sflag:$0x2], $0x2800, s10, s0, $0x38;
	[tilespmem:$0x1C900] =	vst v63  }
0x207: {  	_ =	swait.ge [sflag:s11], $0x2800  }
0x208: {  	[sflag:s11] =	ssyncset.done $0x0  }
0x209: {  	[sflag:s11] =	ssyncadd.s32 $0xFFFFD800  }
0x20a: {  	_ =	sfence.sel $0x180000  }
0x20b: {  	[bflag:$0x0] =	sbarrier.arrive $0xFFFF  }
0x20c: {  	_ =	strace $0x90000047  }
0x20d: {  	s0 =	stileid.u32;
	[bflag:$0x2] =	sbarrier.arrive $0xFFFF  }
0x20e: {  	p0 =	sne.s32 s0, $0x0;
	s0 =	rddreg [dreg:$0x3]  }
0x20f: {  	s0 =	sadd.s32 @!p0 $0x100000, s0  }
0x210: {  	[sflag:s0] =	ssyncadd.tile.s32 @!p0 $0x1;
	_ =	shalt  }
.Lfunc_end2:
_tile_overlayer_lowered:
.L_overlay_start_2:
0x211: {  	(tag) =	ssettag $0x2  }
0x212: {  	s0 =	rddreg [dreg:$0x0];
	s2 =	stileid.u32  }
0x213: {  	s1 =	rddreg [dreg:$0x1];
	p0 =	sne.s32 s2, $0x0  }
0x214: {  	s3 =	rddreg [dreg:$0x2];
	[bflag:$0x3] =	sbarrier.arrive $0xFFFF;
	s2 =	simm.s32 @!p0 $0x1C02  }
0x215: {  	[timem:s3], [sflag:s2] =	dma.local @!p0 [hbm:s0], s1  }
0x216: {  	s0 =	simm.s32 @!p0 $0x2  }
0x217: {  	_ =	swait.ge @!p0 [sflag:s0], s1  }
0x218: {  	s1 =	ssub.s32 @!p0 $0x0, s1;
	[sflag:s0] =	ssyncset.done @!p0 $0x0  }
0x219: {  	[sflag:s0] =	ssyncadd.s32 @!p0 s1  }
0x21a: {  	[bflag:$0x3] =	sbarrier.arrive $0xFFFF  }
0x21b: {  	_ =	shalt  }

</sc_bundles>
